<compile_context>
chip_gen: v7x
topology: tpu7x:2x2x1
jax: 0.10.2.dev20260603
libtpu: 0.0.44.dev20260713+nightly
codegen_flags: <defaults>
</compile_context>

<pallas_src>
import functools
import math

import jax
import jax.numpy as jnp
from jax import lax
from jax.experimental import pallas as pl
from jax.experimental.pallas import tpu as pltpu
from jax.experimental.pallas import tpu_sc as plsc

_WINDOW_SIZE = 10


def _prep_body(ts_ref, emb_ref, t_ref, strip_ref, *, num_bins, s):
    ts = ts_ref[...]
    rt = (ts - ts[:, 0:1]).astype(jnp.float32)
    mx = jnp.max(rt)
    st = jnp.clip(rt / mx, 0.0, float(num_bins - 1)).astype(jnp.int32)
    t = jnp.sum((st == 0).astype(jnp.int32), axis=1, keepdims=True)
    d = emb_ref.shape[1]
    t_ref[...] = (s - t) * d
    j = lax.broadcasted_iota(jnp.int32, (num_bins, num_bins), 1).astype(jnp.float32)
    k = lax.broadcasted_iota(jnp.int32, (num_bins, num_bins), 0).astype(jnp.float32)
    w = jnp.cos((math.pi / _WINDOW_SIZE) * (j - k)) ** 2
    wsum = jnp.sum(w, axis=1, keepdims=True)
    r0 = emb_ref[0:1, :] * wsum[0, 0]
    r1 = emb_ref[1:2, :] * wsum[1, 0]
    ri = lax.broadcasted_iota(jnp.int32, (2 * s, 1), 0)
    strip_ref[...] = jnp.where(ri < s, r0, r1)


def _make_sc_windows(n_b, s, d):
    info = plsc.get_sparse_core_info()
    nc, ns = info.num_cores, info.num_subcores
    nw = nc * ns
    rows_per_w = n_b // nw
    row_w = s * d
    strip_n = 2 * s * d

    mesh = plsc.VectorSubcoreMesh(core_axis_name="c", subcore_axis_name="s")

    @functools.partial(
        pl.kernel,
        mesh=mesh,
        out_type=jax.ShapeDtypeStruct((n_b * row_w,), jnp.float32),
        scratch_types=[
            pltpu.VMEM((rows_per_w,), jnp.int32),
            pltpu.VMEM((strip_n,), jnp.float32),
            pltpu.SemaphoreType.DMA,
            pltpu.SemaphoreType.DMA,
        ],
        compiler_params=pltpu.CompilerParams(use_tc_tiling_on_sc=False),
    )
    def sc_windows(strip_hbm, off_hbm, out_hbm, off_v, strip_v, ssem, osem):
        wid = lax.axis_index("s") * nc + lax.axis_index("c")
        base = wid * rows_per_w
        cp_s = pltpu.async_copy(strip_hbm, strip_v, ssem)
        pltpu.sync_copy(off_hbm.at[pl.ds(base, rows_per_w)], off_v)
        cp_s.wait()
        offs = [off_v[pl.ds(g * 16, 16)] for g in range(rows_per_w // 16)]
        outs = []
        for i in range(rows_per_w):
            off = pl.multiple_of(offs[i // 16][i % 16], d)
            outs.append(
                pltpu.async_copy(
                    strip_v.at[pl.ds(off, row_w)],
                    out_hbm.at[pl.ds(pl.multiple_of((base + i) * row_w, row_w), row_w)],
                    osem,
                )
            )
        for cp in outs:
            cp.wait()

    return sc_windows


def kernel(timestamps, time_embedding):
    b, s = timestamps.shape
    num_bins, d = time_embedding.shape
    prep = pl.pallas_call(
        functools.partial(_prep_body, num_bins=num_bins, s=s),
        out_shape=(
            jax.ShapeDtypeStruct((b, 1), jnp.int32),
            jax.ShapeDtypeStruct((2 * s, d), jnp.float32),
        ),
    )
    off, strip = prep(timestamps, time_embedding)
    out = _make_sc_windows(b, s, d)(strip.reshape(2 * s * d), off.reshape(b))
    return out.reshape(b, s, d)

# --- scband reference (transcript-rebuilt; emitter-appended) ---
"""Pipeline reference for scband-time-stamp-embedding-36438502539438 (READ-ONLY COPY).

The authoritative reference and input builder live on the scoring server;
editing this copy changes nothing except your own understanding.
"""

import jax, jax.numpy as jnp
import numpy as np
import math

D_MODEL = 32
NUM_BINS = 64
WINDOW_SIZE = 10
BATCH = 1024
SEQ = 50


def setup_inputs(seed: int = 0) -> dict:
    key = jax.random.key(seed)
    k1, k2 = jax.random.split(key)
    timestamps = jnp.sort(
        jax.random.randint(k1, (BATCH, SEQ), 0, 1000000, dtype=jnp.int32), axis=-1
    )
    # nn.Embedding default init: N(0, 1)
    time_embedding = jax.random.normal(k2, (NUM_BINS, D_MODEL), dtype=jnp.float32)
    return {"timestamps": timestamps, "time_embedding": time_embedding}


def reference(timestamps, time_embedding):
    # related_time = timestamps - timestamps[:, :1]
    related_time = timestamps - timestamps[:, :1]
    max_timegap = jnp.max(related_time)
    # integer / integer -> float (matches torch true division)
    scaled_timegap = jnp.clip(related_time / max_timegap, 0, NUM_BINS - 1).astype(jnp.int32)
    # embedding gather: (B, S, d)
    embeddings = jnp.take(time_embedding, scaled_timegap, axis=0)
    div_term = jnp.arange(0, NUM_BINS, dtype=jnp.float32)
    window_weights = jnp.cos(math.pi * (div_term - scaled_timegap[..., None].astype(jnp.float32)) / WINDOW_SIZE) ** 2
    window_weights = jnp.maximum(window_weights, 0.0)
    # (B, S, 1, d) * (B, S, num_bins, 1) -> sum over num_bins -> (B, S, d)
    weight_embeddings = (embeddings[:, :, None, :] * window_weights[:, :, :, None]).sum(axis=-2)
    return weight_embeddings

if __name__ == "__main__":
    import jax
    _d = setup_inputs()
    print(jax.jit(kernel)(*tuple(_d.values())))

</pallas_src>

<mosaic_0001>
#map = affine_map<(d0, d1) -> (0)>
module attributes {stable_mosaic.version = 14 : i64} {
  func.func @sc_windows(%arg0: i32, %arg1: i32, %arg2: memref<3200xf32, #tpu.memory_space<hbm>>, %arg3: memref<1024xi32, #tpu.memory_space<hbm>>, %arg4: memref<1638400xf32, #tpu.memory_space<hbm>>, %arg5: memref<32xi32, #tpu.memory_space<vmem>>, %arg6: memref<3200xf32, #tpu.memory_space<vmem>>, %arg7: memref<!tpu.dma_semaphore, #tpu.memory_space<semaphore_mem>>, %arg8: memref<!tpu.dma_semaphore, #tpu.memory_space<semaphore_mem>>) attributes {dimension_semantics = [#tpu.dimension_semantics<core_parallel>, #tpu.dimension_semantics<subcore_parallel>], iteration_bounds = array<i64: 2, 16>, scalar_prefetch = 0 : i64, scratch_operands = 4 : i64, tpu.core_type = #tpu.core_type<sc_vector_subcore>, window_params = [{transform_indices = #map}, {transform_indices = #map}, {transform_indices = #map}]} {
    %mul3A = arith.constant 2 : i32
    %mul3A_0 = arith.muli %arg1, %mul3A : i32
    %add3A = arith.addi %mul3A_0, %arg0 : i32
    %mul3A_1 = arith.constant 32 : i32
    %mul3A_2 = arith.muli %add3A, %mul3A_1 : i32
    tpu.enqueue_dma source(%arg2 : memref<3200xf32, #tpu.memory_space<hbm>>) target(%arg6 : memref<3200xf32, #tpu.memory_space<vmem>>) target_semaphore(%arg7 : memref<!tpu.dma_semaphore, #tpu.memory_space<semaphore_mem>>)
    "tpu.region"() ({
      %run_scoped3A = tpu.sem_alloc : memref<!tpu.dma_semaphore, #tpu.memory_space<semaphore_mem>>
      %dma_start3A_515 = tpu.memref_slice %arg3[%mul3A_2] : memref<1024xi32, #tpu.memory_space<hbm>> -> memref<32xi32, #tpu.memory_space<hbm>>
      %dma_start3A_516 = tpu.memref_slice %arg3[%mul3A_2] : memref<1024xi32, #tpu.memory_space<hbm>> -> memref<32xi32, #tpu.memory_space<hbm>>
      tpu.enqueue_dma source(%dma_start3A_516 : memref<32xi32, #tpu.memory_space<hbm>>) target(%arg5 : memref<32xi32, #tpu.memory_space<vmem>>) target_semaphore(%run_scoped3A : memref<!tpu.dma_semaphore, #tpu.memory_space<semaphore_mem>>)
      %dma_wait3A_517 = tpu.memref_slice %arg3[%mul3A_2] : memref<1024xi32, #tpu.memory_space<hbm>> -> memref<32xi32, #tpu.memory_space<hbm>>
      %dma_wait3A_518 = tpu.memref_slice %arg3[%mul3A_2] : memref<1024xi32, #tpu.memory_space<hbm>> -> memref<32xi32, #tpu.memory_space<hbm>>
      tpu.wait_dma2 semaphore(%run_scoped3A : memref<!tpu.dma_semaphore, #tpu.memory_space<semaphore_mem>>) src(%dma_wait3A_518 : memref<32xi32, #tpu.memory_space<hbm>>) dst(%arg5 : memref<32xi32, #tpu.memory_space<vmem>>)
      tpu.yield
    }) : () -> ()
    tpu.wait_dma2 semaphore(%arg7 : memref<!tpu.dma_semaphore, #tpu.memory_space<semaphore_mem>>) src(%arg2 : memref<3200xf32, #tpu.memory_space<hbm>>) dst(%arg6 : memref<3200xf32, #tpu.memory_space<vmem>>)
    %get3A = arith.constant 0 : index
    %get3A_3 = tpu.vector_load %arg5[%get3A] {strides = array<i32>} : memref<32xi32, #tpu.memory_space<vmem>>, vector<16xi32>,
    %get3A_4 = vector.shape_cast %get3A_3 : vector<16xi32> to vector<16xi32>
    %get3A_5 = arith.constant 16 : index
    %get3A_6 = tpu.vector_load %arg5[%get3A_5] {strides = array<i32>} : memref<32xi32, #tpu.memory_space<vmem>>, vector<16xi32>,
    %get3A_7 = vector.shape_cast %get3A_6 : vector<16xi32> to vector<16xi32>
    %slice3A = vector.extract_strided_slice %get3A_4 {offsets = [0], sizes = [1], strides = [1]} : vector<16xi32> to vector<1xi32>
    %squeeze3A = vector.extract %slice3A[0] : i32 from vector<1xi32>
    %multiple_of3A = tpu.assume_multiple %squeeze3A, 32 : i32
    %add3A_8 = arith.constant 0 : i32
    %add3A_9 = arith.addi %mul3A_2, %add3A_8 : i32
    %mul3A_10 = arith.constant 1600 : i32
    %mul3A_11 = arith.muli %add3A_9, %mul3A_10 : i32
    %multiple_of3A_12 = tpu.assume_multiple %mul3A_11, 1600 : i32
    %dma_start3A = tpu.memref_slice %arg6[%multiple_of3A] : memref<3200xf32, #tpu.memory_space<vmem>> -> memref<1600xf32, #tpu.memory_space<vmem>>
    %dma_start3A_13 = tpu.memref_slice %arg4[%multiple_of3A_12] : memref<1638400xf32, #tpu.memory_space<hbm>> -> memref<1600xf32, #tpu.memory_space<hbm>>
    %dma_start3A_14 = tpu.memref_slice %arg4[%multiple_of3A_12] : memref<1638400xf32, #tpu.memory_space<hbm>> -> memref<1600xf32, #tpu.memory_space<hbm>>
    %dma_start3A_15 = tpu.memref_slice %arg6[%multiple_of3A] : memref<3200xf32, #tpu.memory_space<vmem>> -> memref<1600xf32, #tpu.memory_space<vmem>>
    tpu.enqueue_dma source(%dma_start3A_15 : memref<1600xf32, #tpu.memory_space<vmem>>) target(%dma_start3A_14 : memref<1600xf32, #tpu.memory_space<hbm>>) target_semaphore(%arg8 : memref<!tpu.dma_semaphore, #tpu.memory_space<semaphore_mem>>)
    %slice3A_16 = vector.extract_strided_slice %get3A_4 {offsets = [1], sizes = [1], strides = [1]} : vector<16xi32> to vector<1xi32>
    %squeeze3A_17 = vector.extract %slice3A_16[0] : i32 from vector<1xi32>
    %multiple_of3A_18 = tpu.assume_multiple %squeeze3A_17, 32 : i32
    %add3A_19 = arith.constant 1 : i32
    %add3A_20 = arith.addi %mul3A_2, %add3A_19 : i32
    %mul3A_21 = arith.constant 1600 : i32
    %mul3A_22 = arith.muli %add3A_20, %mul3A_21 : i32
    %multiple_of3A_23 = tpu.assume_multiple %mul3A_22, 1600 : i32
    %dma_start3A_24 = tpu.memref_slice %arg6[%multiple_of3A_18] : memref<3200xf32, #tpu.memory_space<vmem>> -> memref<1600xf32, #tpu.memory_space<vmem>>
    %dma_start3A_25 = tpu.memref_slice %arg4[%multiple_of3A_23] : memref<1638400xf32, #tpu.memory_space<hbm>> -> memref<1600xf32, #tpu.memory_space<hbm>>
    %dma_start3A_26 = tpu.memref_slice %arg4[%multiple_of3A_23] : memref<1638400xf32, #tpu.memory_space<hbm>> -> memref<1600xf32, #tpu.memory_space<hbm>>
    %dma_start3A_27 = tpu.memref_slice %arg6[%multiple_of3A_18] : memref<3200xf32, #tpu.memory_space<vmem>> -> memref<1600xf32, #tpu.memory_space<vmem>>
    tpu.enqueue_dma source(%dma_start3A_27 : memref<1600xf32, #tpu.memory_space<vmem>>) target(%dma_start3A_26 : memref<1600xf32, #tpu.memory_space<hbm>>) target_semaphore(%arg8 : memref<!tpu.dma_semaphore, #tpu.memory_space<semaphore_mem>>)
    %slice3A_28 = vector.extract_strided_slice %get3A_4 {offsets = [2], sizes = [1], strides = [1]} : vector<16xi32> to vector<1xi32>
    %squeeze3A_29 = vector.extract %slice3A_28[0] : i32 from vector<1xi32>
    %multiple_of3A_30 = tpu.assume_multiple %squeeze3A_29, 32 : i32
    %add3A_31 = arith.constant 2 : i32
    %add3A_32 = arith.addi %mul3A_2, %add3A_31 : i32
    %mul3A_33 = arith.constant 1600 : i32
    %mul3A_34 = arith.muli %add3A_32, %mul3A_33 : i32
    %multiple_of3A_35 = tpu.assume_multiple %mul3A_34, 1600 : i32
    %dma_start3A_36 = tpu.memref_slice %arg6[%multiple_of3A_30] : memref<3200xf32, #tpu.memory_space<vmem>> -> memref<1600xf32, #tpu.memory_space<vmem>>
    %dma_start3A_37 = tpu.memref_slice %arg4[%multiple_of3A_35] : memref<1638400xf32, #tpu.memory_space<hbm>> -> memref<1600xf32, #tpu.memory_space<hbm>>
    %dma_start3A_38 = tpu.memref_slice %arg4[%multiple_of3A_35] : memref<1638400xf32, #tpu.memory_space<hbm>> -> memref<1600xf32, #tpu.memory_space<hbm>>
    %dma_start3A_39 = tpu.memref_slice %arg6[%multiple_of3A_30] : memref<3200xf32, #tpu.memory_space<vmem>> -> memref<1600xf32, #tpu.memory_space<vmem>>
    tpu.enqueue_dma source(%dma_start3A_39 : memref<1600xf32, #tpu.memory_space<vmem>>) target(%dma_start3A_38 : memref<1600xf32, #tpu.memory_space<hbm>>) target_semaphore(%arg8 : memref<!tpu.dma_semaphore, #tpu.memory_space<semaphore_mem>>)
    %slice3A_40 = vector.extract_strided_slice %get3A_4 {offsets = [3], sizes = [1], strides = [1]} : vector<16xi32> to vector<1xi32>
    %squeeze3A_41 = vector.extract %slice3A_40[0] : i32 from vector<1xi32>
    %multiple_of3A_42 = tpu.assume_multiple %squeeze3A_41, 32 : i32
    %add3A_43 = arith.constant 3 : i32
    %add3A_44 = arith.addi %mul3A_2, %add3A_43 : i32
    %mul3A_45 = arith.constant 1600 : i32
    %mul3A_46 = arith.muli %add3A_44, %mul3A_45 : i32
    %multiple_of3A_47 = tpu.assume_multiple %mul3A_46, 1600 : i32
    %dma_start3A_48 = tpu.memref_slice %arg6[%multiple_of3A_42] : memref<3200xf32, #tpu.memory_space<vmem>> -> memref<1600xf32, #tpu.memory_space<vmem>>
    %dma_start3A_49 = tpu.memref_slice %arg4[%multiple_of3A_47] : memref<1638400xf32, #tpu.memory_space<hbm>> -> memref<1600xf32, #tpu.memory_space<hbm>>
    %dma_start3A_50 = tpu.memref_slice %arg4[%multiple_of3A_47] : memref<1638400xf32, #tpu.memory_space<hbm>> -> memref<1600xf32, #tpu.memory_space<hbm>>
    %dma_start3A_51 = tpu.memref_slice %arg6[%multiple_of3A_42] : memref<3200xf32, #tpu.memory_space<vmem>> -> memref<1600xf32, #tpu.memory_space<vmem>>
    tpu.enqueue_dma source(%dma_start3A_51 : memref<1600xf32, #tpu.memory_space<vmem>>) target(%dma_start3A_50 : memref<1600xf32, #tpu.memory_space<hbm>>) target_semaphore(%arg8 : memref<!tpu.dma_semaphore, #tpu.memory_space<semaphore_mem>>)
    %slice3A_52 = vector.extract_strided_slice %get3A_4 {offsets = [4], sizes = [1], strides = [1]} : vector<16xi32> to vector<1xi32>
    %squeeze3A_53 = vector.extract %slice3A_52[0] : i32 from vector<1xi32>
    %multiple_of3A_54 = tpu.assume_multiple %squeeze3A_53, 32 : i32
    %add3A_55 = arith.constant 4 : i32
    %add3A_56 = arith.addi %mul3A_2, %add3A_55 : i32
    %mul3A_57 = arith.constant 1600 : i32
    %mul3A_58 = arith.muli %add3A_56, %mul3A_57 : i32
    %multiple_of3A_59 = tpu.assume_multiple %mul3A_58, 1600 : i32
    %dma_start3A_60 = tpu.memref_slice %arg6[%multiple_of3A_54] : memref<3200xf32, #tpu.memory_space<vmem>> -> memref<1600xf32, #tpu.memory_space<vmem>>
    %dma_start3A_61 = tpu.memref_slice %arg4[%multiple_of3A_59] : memref<1638400xf32, #tpu.memory_space<hbm>> -> memref<1600xf32, #tpu.memory_space<hbm>>
    %dma_start3A_62 = tpu.memref_slice %arg4[%multiple_of3A_59] : memref<1638400xf32, #tpu.memory_space<hbm>> -> memref<1600xf32, #tpu.memory_space<hbm>>
    %dma_start3A_63 = tpu.memref_slice %arg6[%multiple_of3A_54] : memref<3200xf32, #tpu.memory_space<vmem>> -> memref<1600xf32, #tpu.memory_space<vmem>>
    tpu.enqueue_dma source(%dma_start3A_63 : memref<1600xf32, #tpu.memory_space<vmem>>) target(%dma_start3A_62 : memref<1600xf32, #tpu.memory_space<hbm>>) target_semaphore(%arg8 : memref<!tpu.dma_semaphore, #tpu.memory_space<semaphore_mem>>)
    %slice3A_64 = vector.extract_strided_slice %get3A_4 {offsets = [5], sizes = [1], strides = [1]} : vector<16xi32> to vector<1xi32>
    %squeeze3A_65 = vector.extract %slice3A_64[0] : i32 from vector<1xi32>
    %multiple_of3A_66 = tpu.assume_multiple %squeeze3A_65, 32 : i32
    %add3A_67 = arith.constant 5 : i32
    %add3A_68 = arith.addi %mul3A_2, %add3A_67 : i32
    %mul3A_69 = arith.constant 1600 : i32
    %mul3A_70 = arith.muli %add3A_68, %mul3A_69 : i32
    %multiple_of3A_71 = tpu.assume_multiple %mul3A_70, 1600 : i32
    %dma_start3A_72 = tpu.memref_slice %arg6[%multiple_of3A_66] : memref<3200xf32, #tpu.memory_space<vmem>> -> memref<1600xf32, #tpu.memory_space<vmem>>
    %dma_start3A_73 = tpu.memref_slice %arg4[%multiple_of3A_71] : memref<1638400xf32, #tpu.memory_space<hbm>> -> memref<1600xf32, #tpu.memory_space<hbm>>
    %dma_start3A_74 = tpu.memref_slice %arg4[%multiple_of3A_71] : memref<1638400xf32, #tpu.memory_space<hbm>> -> memref<1600xf32, #tpu.memory_space<hbm>>
    %dma_start3A_75 = tpu.memref_slice %arg6[%multiple_of3A_66] : memref<3200xf32, #tpu.memory_space<vmem>> -> memref<1600xf32, #tpu.memory_space<vmem>>
    tpu.enqueue_dma source(%dma_start3A_75 : memref<1600xf32, #tpu.memory_space<vmem>>) target(%dma_start3A_74 : memref<1600xf32, #tpu.memory_space<hbm>>) target_semaphore(%arg8 : memref<!tpu.dma_semaphore, #tpu.memory_space<semaphore_mem>>)
    %slice3A_76 = vector.extract_strided_slice %get3A_4 {offsets = [6], sizes = [1], strides = [1]} : vector<16xi32> to vector<1xi32>
    %squeeze3A_77 = vector.extract %slice3A_76[0] : i32 from vector<1xi32>
    %multiple_of3A_78 = tpu.assume_multiple %squeeze3A_77, 32 : i32
    %add3A_79 = arith.constant 6 : i32
    %add3A_80 = arith.addi %mul3A_2, %add3A_79 : i32
    %mul3A_81 = arith.constant 1600 : i32
    %mul3A_82 = arith.muli %add3A_80, %mul3A_81 : i32
    %multiple_of3A_83 = tpu.assume_multiple %mul3A_82, 1600 : i32
    %dma_start3A_84 = tpu.memref_slice %arg6[%multiple_of3A_78] : memref<3200xf32, #tpu.memory_space<vmem>> -> memref<1600xf32, #tpu.memory_space<vmem>>
    %dma_start3A_85 = tpu.memref_slice %arg4[%multiple_of3A_83] : memref<1638400xf32, #tpu.memory_space<hbm>> -> memref<1600xf32, #tpu.memory_space<hbm>>
    %dma_start3A_86 = tpu.memref_slice %arg4[%multiple_of3A_83] : memref<1638400xf32, #tpu.memory_space<hbm>> -> memref<1600xf32, #tpu.memory_space<hbm>>
    %dma_start3A_87 = tpu.memref_slice %arg6[%multiple_of3A_78] : memref<3200xf32, #tpu.memory_space<vmem>> -> memref<1600xf32, #tpu.memory_space<vmem>>
    tpu.enqueue_dma source(%dma_start3A_87 : memref<1600xf32, #tpu.memory_space<vmem>>) target(%dma_start3A_86 : memref<1600xf32, #tpu.memory_space<hbm>>) target_semaphore(%arg8 : memref<!tpu.dma_semaphore, #tpu.memory_space<semaphore_mem>>)
    %slice3A_88 = vector.extract_strided_slice %get3A_4 {offsets = [7], sizes = [1], strides = [1]} : vector<16xi32> to vector<1xi32>
    %squeeze3A_89 = vector.extract %slice3A_88[0] : i32 from vector<1xi32>
    %multiple_of3A_90 = tpu.assume_multiple %squeeze3A_89, 32 : i32
    %add3A_91 = arith.constant 7 : i32
    %add3A_92 = arith.addi %mul3A_2, %add3A_91 : i32
    %mul3A_93 = arith.constant 1600 : i32
    %mul3A_94 = arith.muli %add3A_92, %mul3A_93 : i32
    %multiple_of3A_95 = tpu.assume_multiple %mul3A_94, 1600 : i32
    %dma_start3A_96 = tpu.memref_slice %arg6[%multiple_of3A_90] : memref<3200xf32, #tpu.memory_space<vmem>> -> memref<1600xf32, #tpu.memory_space<vmem>>
    %dma_start3A_97 = tpu.memref_slice %arg4[%multiple_of3A_95] : memref<1638400xf32, #tpu.memory_space<hbm>> -> memref<1600xf32, #tpu.memory_space<hbm>>
    %dma_start3A_98 = tpu.memref_slice %arg4[%multiple_of3A_95] : memref<1638400xf32, #tpu.memory_space<hbm>> -> memref<1600xf32, #tpu.memory_space<hbm>>
    %dma_start3A_99 = tpu.memref_slice %arg6[%multiple_of3A_90] : memref<3200xf32, #tpu.memory_space<vmem>> -> memref<1600xf32, #tpu.memory_space<vmem>>
    tpu.enqueue_dma source(%dma_start3A_99 : memref<1600xf32, #tpu.memory_space<vmem>>) target(%dma_start3A_98 : memref<1600xf32, #tpu.memory_space<hbm>>) target_semaphore(%arg8 : memref<!tpu.dma_semaphore, #tpu.memory_space<semaphore_mem>>)
    %slice3A_100 = vector.extract_strided_slice %get3A_4 {offsets = [8], sizes = [1], strides = [1]} : vector<16xi32> to vector<1xi32>
    %squeeze3A_101 = vector.extract %slice3A_100[0] : i32 from vector<1xi32>
    %multiple_of3A_102 = tpu.assume_multiple %squeeze3A_101, 32 : i32
    %add3A_103 = arith.constant 8 : i32
    %add3A_104 = arith.addi %mul3A_2, %add3A_103 : i32
    %mul3A_105 = arith.constant 1600 : i32
    %mul3A_106 = arith.muli %add3A_104, %mul3A_105 : i32
    %multiple_of3A_107 = tpu.assume_multiple %mul3A_106, 1600 : i32
    %dma_start3A_108 = tpu.memref_slice %arg6[%multiple_of3A_102] : memref<3200xf32, #tpu.memory_space<vmem>> -> memref<1600xf32, #tpu.memory_space<vmem>>
    %dma_start3A_109 = tpu.memref_slice %arg4[%multiple_of3A_107] : memref<1638400xf32, #tpu.memory_space<hbm>> -> memref<1600xf32, #tpu.memory_space<hbm>>
    %dma_start3A_110 = tpu.memref_slice %arg4[%multiple_of3A_107] : memref<1638400xf32, #tpu.memory_space<hbm>> -> memref<1600xf32, #tpu.memory_space<hbm>>
    %dma_start3A_111 = tpu.memref_slice %arg6[%multiple_of3A_102] : memref<3200xf32, #tpu.memory_space<vmem>> -> memref<1600xf32, #tpu.memory_space<vmem>>
    tpu.enqueue_dma source(%dma_start3A_111 : memref<1600xf32, #tpu.memory_space<vmem>>) target(%dma_start3A_110 : memref<1600xf32, #tpu.memory_space<hbm>>) target_semaphore(%arg8 : memref<!tpu.dma_semaphore, #tpu.memory_space<semaphore_mem>>)
    %slice3A_112 = vector.extract_strided_slice %get3A_4 {offsets = [9], sizes = [1], strides = [1]} : vector<16xi32> to vector<1xi32>
    %squeeze3A_113 = vector.extract %slice3A_112[0] : i32 from vector<1xi32>
    %multiple_of3A_114 = tpu.assume_multiple %squeeze3A_113, 32 : i32
    %add3A_115 = arith.constant 9 : i32
    %add3A_116 = arith.addi %mul3A_2, %add3A_115 : i32
    %mul3A_117 = arith.constant 1600 : i32
    %mul3A_118 = arith.muli %add3A_116, %mul3A_117 : i32
    %multiple_of3A_119 = tpu.assume_multiple %mul3A_118, 1600 : i32
    %dma_start3A_120 = tpu.memref_slice %arg6[%multiple_of3A_114] : memref<3200xf32, #tpu.memory_space<vmem>> -> memref<1600xf32, #tpu.memory_space<vmem>>
    %dma_start3A_121 = tpu.memref_slice %arg4[%multiple_of3A_119] : memref<1638400xf32, #tpu.memory_space<hbm>> -> memref<1600xf32, #tpu.memory_space<hbm>>
    %dma_start3A_122 = tpu.memref_slice %arg4[%multiple_of3A_119] : memref<1638400xf32, #tpu.memory_space<hbm>> -> memref<1600xf32, #tpu.memory_space<hbm>>
    %dma_start3A_123 = tpu.memref_slice %arg6[%multiple_of3A_114] : memref<3200xf32, #tpu.memory_space<vmem>> -> memref<1600xf32, #tpu.memory_space<vmem>>
    tpu.enqueue_dma source(%dma_start3A_123 : memref<1600xf32, #tpu.memory_space<vmem>>) target(%dma_start3A_122 : memref<1600xf32, #tpu.memory_space<hbm>>) target_semaphore(%arg8 : memref<!tpu.dma_semaphore, #tpu.memory_space<semaphore_mem>>)
    %slice3A_124 = vector.extract_strided_slice %get3A_4 {offsets = [10], sizes = [1], strides = [1]} : vector<16xi32> to vector<1xi32>
    %squeeze3A_125 = vector.extract %slice3A_124[0] : i32 from vector<1xi32>
    %multiple_of3A_126 = tpu.assume_multiple %squeeze3A_125, 32 : i32
    %add3A_127 = arith.constant 10 : i32
    %add3A_128 = arith.addi %mul3A_2, %add3A_127 : i32
    %mul3A_129 = arith.constant 1600 : i32
    %mul3A_130 = arith.muli %add3A_128, %mul3A_129 : i32
    %multiple_of3A_131 = tpu.assume_multiple %mul3A_130, 1600 : i32
    %dma_start3A_132 = tpu.memref_slice %arg6[%multiple_of3A_126] : memref<3200xf32, #tpu.memory_space<vmem>> -> memref<1600xf32, #tpu.memory_space<vmem>>
    %dma_start3A_133 = tpu.memref_slice %arg4[%multiple_of3A_131] : memref<1638400xf32, #tpu.memory_space<hbm>> -> memref<1600xf32, #tpu.memory_space<hbm>>
    %dma_start3A_134 = tpu.memref_slice %arg4[%multiple_of3A_131] : memref<1638400xf32, #tpu.memory_space<hbm>> -> memref<1600xf32, #tpu.memory_space<hbm>>
    %dma_start3A_135 = tpu.memref_slice %arg6[%multiple_of3A_126] : memref<3200xf32, #tpu.memory_space<vmem>> -> memref<1600xf32, #tpu.memory_space<vmem>>
    tpu.enqueue_dma source(%dma_start3A_135 : memref<1600xf32, #tpu.memory_space<vmem>>) target(%dma_start3A_134 : memref<1600xf32, #tpu.memory_space<hbm>>) target_semaphore(%arg8 : memref<!tpu.dma_semaphore, #tpu.memory_space<semaphore_mem>>)
    %slice3A_136 = vector.extract_strided_slice %get3A_4 {offsets = [11], sizes = [1], strides = [1]} : vector<16xi32> to vector<1xi32>
    %squeeze3A_137 = vector.extract %slice3A_136[0] : i32 from vector<1xi32>
    %multiple_of3A_138 = tpu.assume_multiple %squeeze3A_137, 32 : i32
    %add3A_139 = arith.constant 11 : i32
    %add3A_140 = arith.addi %mul3A_2, %add3A_139 : i32
    %mul3A_141 = arith.constant 1600 : i32
    %mul3A_142 = arith.muli %add3A_140, %mul3A_141 : i32
    %multiple_of3A_143 = tpu.assume_multiple %mul3A_142, 1600 : i32
    %dma_start3A_144 = tpu.memref_slice %arg6[%multiple_of3A_138] : memref<3200xf32, #tpu.memory_space<vmem>> -> memref<1600xf32, #tpu.memory_space<vmem>>
    %dma_start3A_145 = tpu.memref_slice %arg4[%multiple_of3A_143] : memref<1638400xf32, #tpu.memory_space<hbm>> -> memref<1600xf32, #tpu.memory_space<hbm>>
    %dma_start3A_146 = tpu.memref_slice %arg4[%multiple_of3A_143] : memref<1638400xf32, #tpu.memory_space<hbm>> -> memref<1600xf32, #tpu.memory_space<hbm>>
    %dma_start3A_147 = tpu.memref_slice %arg6[%multiple_of3A_138] : memref<3200xf32, #tpu.memory_space<vmem>> -> memref<1600xf32, #tpu.memory_space<vmem>>
    tpu.enqueue_dma source(%dma_start3A_147 : memref<1600xf32, #tpu.memory_space<vmem>>) target(%dma_start3A_146 : memref<1600xf32, #tpu.memory_space<hbm>>) target_semaphore(%arg8 : memref<!tpu.dma_semaphore, #tpu.memory_space<semaphore_mem>>)
    %slice3A_148 = vector.extract_strided_slice %get3A_4 {offsets = [12], sizes = [1], strides = [1]} : vector<16xi32> to vector<1xi32>
    %squeeze3A_149 = vector.extract %slice3A_148[0] : i32 from vector<1xi32>
    %multiple_of3A_150 = tpu.assume_multiple %squeeze3A_149, 32 : i32
    %add3A_151 = arith.constant 12 : i32
    %add3A_152 = arith.addi %mul3A_2, %add3A_151 : i32
    %mul3A_153 = arith.constant 1600 : i32
    %mul3A_154 = arith.muli %add3A_152, %mul3A_153 : i32
    %multiple_of3A_155 = tpu.assume_multiple %mul3A_154, 1600 : i32
    %dma_start3A_156 = tpu.memref_slice %arg6[%multiple_of3A_150] : memref<3200xf32, #tpu.memory_space<vmem>> -> memref<1600xf32, #tpu.memory_space<vmem>>
    %dma_start3A_157 = tpu.memref_slice %arg4[%multiple_of3A_155] : memref<1638400xf32, #tpu.memory_space<hbm>> -> memref<1600xf32, #tpu.memory_space<hbm>>
    %dma_start3A_158 = tpu.memref_slice %arg4[%multiple_of3A_155] : memref<1638400xf32, #tpu.memory_space<hbm>> -> memref<1600xf32, #tpu.memory_space<hbm>>
    %dma_start3A_159 = tpu.memref_slice %arg6[%multiple_of3A_150] : memref<3200xf32, #tpu.memory_space<vmem>> -> memref<1600xf32, #tpu.memory_space<vmem>>
    tpu.enqueue_dma source(%dma_start3A_159 : memref<1600xf32, #tpu.memory_space<vmem>>) target(%dma_start3A_158 : memref<1600xf32, #tpu.memory_space<hbm>>) target_semaphore(%arg8 : memref<!tpu.dma_semaphore, #tpu.memory_space<semaphore_mem>>)
    %slice3A_160 = vector.extract_strided_slice %get3A_4 {offsets = [13], sizes = [1], strides = [1]} : vector<16xi32> to vector<1xi32>
    %squeeze3A_161 = vector.extract %slice3A_160[0] : i32 from vector<1xi32>
    %multiple_of3A_162 = tpu.assume_multiple %squeeze3A_161, 32 : i32
    %add3A_163 = arith.constant 13 : i32
    %add3A_164 = arith.addi %mul3A_2, %add3A_163 : i32
    %mul3A_165 = arith.constant 1600 : i32
    %mul3A_166 = arith.muli %add3A_164, %mul3A_165 : i32
    %multiple_of3A_167 = tpu.assume_multiple %mul3A_166, 1600 : i32
    %dma_start3A_168 = tpu.memref_slice %arg6[%multiple_of3A_162] : memref<3200xf32, #tpu.memory_space<vmem>> -> memref<1600xf32, #tpu.memory_space<vmem>>
    %dma_start3A_169 = tpu.memref_slice %arg4[%multiple_of3A_167] : memref<1638400xf32, #tpu.memory_space<hbm>> -> memref<1600xf32, #tpu.memory_space<hbm>>
    %dma_start3A_170 = tpu.memref_slice %arg4[%multiple_of3A_167] : memref<1638400xf32, #tpu.memory_space<hbm>> -> memref<1600xf32, #tpu.memory_space<hbm>>
    %dma_start3A_171 = tpu.memref_slice %arg6[%multiple_of3A_162] : memref<3200xf32, #tpu.memory_space<vmem>> -> memref<1600xf32, #tpu.memory_space<vmem>>
    tpu.enqueue_dma source(%dma_start3A_171 : memref<1600xf32, #tpu.memory_space<vmem>>) target(%dma_start3A_170 : memref<1600xf32, #tpu.memory_space<hbm>>) target_semaphore(%arg8 : memref<!tpu.dma_semaphore, #tpu.memory_space<semaphore_mem>>)
    %slice3A_172 = vector.extract_strided_slice %get3A_4 {offsets = [14], sizes = [1], strides = [1]} : vector<16xi32> to vector<1xi32>
    %squeeze3A_173 = vector.extract %slice3A_172[0] : i32 from vector<1xi32>
    %multiple_of3A_174 = tpu.assume_multiple %squeeze3A_173, 32 : i32
    %add3A_175 = arith.constant 14 : i32
    %add3A_176 = arith.addi %mul3A_2, %add3A_175 : i32
    %mul3A_177 = arith.constant 1600 : i32
    %mul3A_178 = arith.muli %add3A_176, %mul3A_177 : i32
    %multiple_of3A_179 = tpu.assume_multiple %mul3A_178, 1600 : i32
    %dma_start3A_180 = tpu.memref_slice %arg6[%multiple_of3A_174] : memref<3200xf32, #tpu.memory_space<vmem>> -> memref<1600xf32, #tpu.memory_space<vmem>>
    %dma_start3A_181 = tpu.memref_slice %arg4[%multiple_of3A_179] : memref<1638400xf32, #tpu.memory_space<hbm>> -> memref<1600xf32, #tpu.memory_space<hbm>>
    %dma_start3A_182 = tpu.memref_slice %arg4[%multiple_of3A_179] : memref<1638400xf32, #tpu.memory_space<hbm>> -> memref<1600xf32, #tpu.memory_space<hbm>>
    %dma_start3A_183 = tpu.memref_slice %arg6[%multiple_of3A_174] : memref<3200xf32, #tpu.memory_space<vmem>> -> memref<1600xf32, #tpu.memory_space<vmem>>
    tpu.enqueue_dma source(%dma_start3A_183 : memref<1600xf32, #tpu.memory_space<vmem>>) target(%dma_start3A_182 : memref<1600xf32, #tpu.memory_space<hbm>>) target_semaphore(%arg8 : memref<!tpu.dma_semaphore, #tpu.memory_space<semaphore_mem>>)
    %slice3A_184 = vector.extract_strided_slice %get3A_4 {offsets = [15], sizes = [1], strides = [1]} : vector<16xi32> to vector<1xi32>
    %squeeze3A_185 = vector.extract %slice3A_184[0] : i32 from vector<1xi32>
    %multiple_of3A_186 = tpu.assume_multiple %squeeze3A_185, 32 : i32
    %add3A_187 = arith.constant 15 : i32
    %add3A_188 = arith.addi %mul3A_2, %add3A_187 : i32
    %mul3A_189 = arith.constant 1600 : i32
    %mul3A_190 = arith.muli %add3A_188, %mul3A_189 : i32
    %multiple_of3A_191 = tpu.assume_multiple %mul3A_190, 1600 : i32
    %dma_start3A_192 = tpu.memref_slice %arg6[%multiple_of3A_186] : memref<3200xf32, #tpu.memory_space<vmem>> -> memref<1600xf32, #tpu.memory_space<vmem>>
    %dma_start3A_193 = tpu.memref_slice %arg4[%multiple_of3A_191] : memref<1638400xf32, #tpu.memory_space<hbm>> -> memref<1600xf32, #tpu.memory_space<hbm>>
    %dma_start3A_194 = tpu.memref_slice %arg4[%multiple_of3A_191] : memref<1638400xf32, #tpu.memory_space<hbm>> -> memref<1600xf32, #tpu.memory_space<hbm>>
    %dma_start3A_195 = tpu.memref_slice %arg6[%multiple_of3A_186] : memref<3200xf32, #tpu.memory_space<vmem>> -> memref<1600xf32, #tpu.memory_space<vmem>>
    tpu.enqueue_dma source(%dma_start3A_195 : memref<1600xf32, #tpu.memory_space<vmem>>) target(%dma_start3A_194 : memref<1600xf32, #tpu.memory_space<hbm>>) target_semaphore(%arg8 : memref<!tpu.dma_semaphore, #tpu.memory_space<semaphore_mem>>)
    %slice3A_196 = vector.extract_strided_slice %get3A_7 {offsets = [0], sizes = [1], strides = [1]} : vector<16xi32> to vector<1xi32>
    %squeeze3A_197 = vector.extract %slice3A_196[0] : i32 from vector<1xi32>
    %multiple_of3A_198 = tpu.assume_multiple %squeeze3A_197, 32 : i32
    %add3A_199 = arith.constant 16 : i32
    %add3A_200 = arith.addi %mul3A_2, %add3A_199 : i32
    %mul3A_201 = arith.constant 1600 : i32
    %mul3A_202 = arith.muli %add3A_200, %mul3A_201 : i32
    %multiple_of3A_203 = tpu.assume_multiple %mul3A_202, 1600 : i32
    %dma_start3A_204 = tpu.memref_slice %arg6[%multiple_of3A_198] : memref<3200xf32, #tpu.memory_space<vmem>> -> memref<1600xf32, #tpu.memory_space<vmem>>
    %dma_start3A_205 = tpu.memref_slice %arg4[%multiple_of3A_203] : memref<1638400xf32, #tpu.memory_space<hbm>> -> memref<1600xf32, #tpu.memory_space<hbm>>
    %dma_start3A_206 = tpu.memref_slice %arg4[%multiple_of3A_203] : memref<1638400xf32, #tpu.memory_space<hbm>> -> memref<1600xf32, #tpu.memory_space<hbm>>
    %dma_start3A_207 = tpu.memref_slice %arg6[%multiple_of3A_198] : memref<3200xf32, #tpu.memory_space<vmem>> -> memref<1600xf32, #tpu.memory_space<vmem>>
    tpu.enqueue_dma source(%dma_start3A_207 : memref<1600xf32, #tpu.memory_space<vmem>>) target(%dma_start3A_206 : memref<1600xf32, #tpu.memory_space<hbm>>) target_semaphore(%arg8 : memref<!tpu.dma_semaphore, #tpu.memory_space<semaphore_mem>>)
    %slice3A_208 = vector.extract_strided_slice %get3A_7 {offsets = [1], sizes = [1], strides = [1]} : vector<16xi32> to vector<1xi32>
    %squeeze3A_209 = vector.extract %slice3A_208[0] : i32 from vector<1xi32>
    %multiple_of3A_210 = tpu.assume_multiple %squeeze3A_209, 32 : i32
    %add3A_211 = arith.constant 17 : i32
    %add3A_212 = arith.addi %mul3A_2, %add3A_211 : i32
    %mul3A_213 = arith.constant 1600 : i32
    %mul3A_214 = arith.muli %add3A_212, %mul3A_213 : i32
    %multiple_of3A_215 = tpu.assume_multiple %mul3A_214, 1600 : i32
    %dma_start3A_216 = tpu.memref_slice %arg6[%multiple_of3A_210] : memref<3200xf32, #tpu.memory_space<vmem>> -> memref<1600xf32, #tpu.memory_space<vmem>>
    %dma_start3A_217 = tpu.memref_slice %arg4[%multiple_of3A_215] : memref<1638400xf32, #tpu.memory_space<hbm>> -> memref<1600xf32, #tpu.memory_space<hbm>>
    %dma_start3A_218 = tpu.memref_slice %arg4[%multiple_of3A_215] : memref<1638400xf32, #tpu.memory_space<hbm>> -> memref<1600xf32, #tpu.memory_space<hbm>>
    %dma_start3A_219 = tpu.memref_slice %arg6[%multiple_of3A_210] : memref<3200xf32, #tpu.memory_space<vmem>> -> memref<1600xf32, #tpu.memory_space<vmem>>
    tpu.enqueue_dma source(%dma_start3A_219 : memref<1600xf32, #tpu.memory_space<vmem>>) target(%dma_start3A_218 : memref<1600xf32, #tpu.memory_space<hbm>>) target_semaphore(%arg8 : memref<!tpu.dma_semaphore, #tpu.memory_space<semaphore_mem>>)
    %slice3A_220 = vector.extract_strided_slice %get3A_7 {offsets = [2], sizes = [1], strides = [1]} : vector<16xi32> to vector<1xi32>
    %squeeze3A_221 = vector.extract %slice3A_220[0] : i32 from vector<1xi32>
    %multiple_of3A_222 = tpu.assume_multiple %squeeze3A_221, 32 : i32
    %add3A_223 = arith.constant 18 : i32
    %add3A_224 = arith.addi %mul3A_2, %add3A_223 : i32
    %mul3A_225 = arith.constant 1600 : i32
    %mul3A_226 = arith.muli %add3A_224, %mul3A_225 : i32
    %multiple_of3A_227 = tpu.assume_multiple %mul3A_226, 1600 : i32
    %dma_start3A_228 = tpu.memref_slice %arg6[%multiple_of3A_222] : memref<3200xf32, #tpu.memory_space<vmem>> -> memref<1600xf32, #tpu.memory_space<vmem>>
    %dma_start3A_229 = tpu.memref_slice %arg4[%multiple_of3A_227] : memref<1638400xf32, #tpu.memory_space<hbm>> -> memref<1600xf32, #tpu.memory_space<hbm>>
    %dma_start3A_230 = tpu.memref_slice %arg4[%multiple_of3A_227] : memref<1638400xf32, #tpu.memory_space<hbm>> -> memref<1600xf32, #tpu.memory_space<hbm>>
    %dma_start3A_231 = tpu.memref_slice %arg6[%multiple_of3A_222] : memref<3200xf32, #tpu.memory_space<vmem>> -> memref<1600xf32, #tpu.memory_space<vmem>>
    tpu.enqueue_dma source(%dma_start3A_231 : memref<1600xf32, #tpu.memory_space<vmem>>) target(%dma_start3A_230 : memref<1600xf32, #tpu.memory_space<hbm>>) target_semaphore(%arg8 : memref<!tpu.dma_semaphore, #tpu.memory_space<semaphore_mem>>)
    %slice3A_232 = vector.extract_strided_slice %get3A_7 {offsets = [3], sizes = [1], strides = [1]} : vector<16xi32> to vector<1xi32>
    %squeeze3A_233 = vector.extract %slice3A_232[0] : i32 from vector<1xi32>
    %multiple_of3A_234 = tpu.assume_multiple %squeeze3A_233, 32 : i32
    %add3A_235 = arith.constant 19 : i32
    %add3A_236 = arith.addi %mul3A_2, %add3A_235 : i32
    %mul3A_237 = arith.constant 1600 : i32
    %mul3A_238 = arith.muli %add3A_236, %mul3A_237 : i32
    %multiple_of3A_239 = tpu.assume_multiple %mul3A_238, 1600 : i32
    %dma_start3A_240 = tpu.memref_slice %arg6[%multiple_of3A_234] : memref<3200xf32, #tpu.memory_space<vmem>> -> memref<1600xf32, #tpu.memory_space<vmem>>
    %dma_start3A_241 = tpu.memref_slice %arg4[%multiple_of3A_239] : memref<1638400xf32, #tpu.memory_space<hbm>> -> memref<1600xf32, #tpu.memory_space<hbm>>
    %dma_start3A_242 = tpu.memref_slice %arg4[%multiple_of3A_239] : memref<1638400xf32, #tpu.memory_space<hbm>> -> memref<1600xf32, #tpu.memory_space<hbm>>
    %dma_start3A_243 = tpu.memref_slice %arg6[%multiple_of3A_234] : memref<3200xf32, #tpu.memory_space<vmem>> -> memref<1600xf32, #tpu.memory_space<vmem>>
    tpu.enqueue_dma source(%dma_start3A_243 : memref<1600xf32, #tpu.memory_space<vmem>>) target(%dma_start3A_242 : memref<1600xf32, #tpu.memory_space<hbm>>) target_semaphore(%arg8 : memref<!tpu.dma_semaphore, #tpu.memory_space<semaphore_mem>>)
    %slice3A_244 = vector.extract_strided_slice %get3A_7 {offsets = [4], sizes = [1], strides = [1]} : vector<16xi32> to vector<1xi32>
    %squeeze3A_245 = vector.extract %slice3A_244[0] : i32 from vector<1xi32>
    %multiple_of3A_246 = tpu.assume_multiple %squeeze3A_245, 32 : i32
    %add3A_247 = arith.constant 20 : i32
    %add3A_248 = arith.addi %mul3A_2, %add3A_247 : i32
    %mul3A_249 = arith.constant 1600 : i32
    %mul3A_250 = arith.muli %add3A_248, %mul3A_249 : i32
    %multiple_of3A_251 = tpu.assume_multiple %mul3A_250, 1600 : i32
    %dma_start3A_252 = tpu.memref_slice %arg6[%multiple_of3A_246] : memref<3200xf32, #tpu.memory_space<vmem>> -> memref<1600xf32, #tpu.memory_space<vmem>>
    %dma_start3A_253 = tpu.memref_slice %arg4[%multiple_of3A_251] : memref<1638400xf32, #tpu.memory_space<hbm>> -> memref<1600xf32, #tpu.memory_space<hbm>>
    %dma_start3A_254 = tpu.memref_slice %arg4[%multiple_of3A_251] : memref<1638400xf32, #tpu.memory_space<hbm>> -> memref<1600xf32, #tpu.memory_space<hbm>>
    %dma_start3A_255 = tpu.memref_slice %arg6[%multiple_of3A_246] : memref<3200xf32, #tpu.memory_space<vmem>> -> memref<1600xf32, #tpu.memory_space<vmem>>
    tpu.enqueue_dma source(%dma_start3A_255 : memref<1600xf32, #tpu.memory_space<vmem>>) target(%dma_start3A_254 : memref<1600xf32, #tpu.memory_space<hbm>>) target_semaphore(%arg8 : memref<!tpu.dma_semaphore, #tpu.memory_space<semaphore_mem>>)
    %slice3A_256 = vector.extract_strided_slice %get3A_7 {offsets = [5], sizes = [1], strides = [1]} : vector<16xi32> to vector<1xi32>
    %squeeze3A_257 = vector.extract %slice3A_256[0] : i32 from vector<1xi32>
    %multiple_of3A_258 = tpu.assume_multiple %squeeze3A_257, 32 : i32
    %add3A_259 = arith.constant 21 : i32
    %add3A_260 = arith.addi %mul3A_2, %add3A_259 : i32
    %mul3A_261 = arith.constant 1600 : i32
    %mul3A_262 = arith.muli %add3A_260, %mul3A_261 : i32
    %multiple_of3A_263 = tpu.assume_multiple %mul3A_262, 1600 : i32
    %dma_start3A_264 = tpu.memref_slice %arg6[%multiple_of3A_258] : memref<3200xf32, #tpu.memory_space<vmem>> -> memref<1600xf32, #tpu.memory_space<vmem>>
    %dma_start3A_265 = tpu.memref_slice %arg4[%multiple_of3A_263] : memref<1638400xf32, #tpu.memory_space<hbm>> -> memref<1600xf32, #tpu.memory_space<hbm>>
    %dma_start3A_266 = tpu.memref_slice %arg4[%multiple_of3A_263] : memref<1638400xf32, #tpu.memory_space<hbm>> -> memref<1600xf32, #tpu.memory_space<hbm>>
    %dma_start3A_267 = tpu.memref_slice %arg6[%multiple_of3A_258] : memref<3200xf32, #tpu.memory_space<vmem>> -> memref<1600xf32, #tpu.memory_space<vmem>>
    tpu.enqueue_dma source(%dma_start3A_267 : memref<1600xf32, #tpu.memory_space<vmem>>) target(%dma_start3A_266 : memref<1600xf32, #tpu.memory_space<hbm>>) target_semaphore(%arg8 : memref<!tpu.dma_semaphore, #tpu.memory_space<semaphore_mem>>)
    %slice3A_268 = vector.extract_strided_slice %get3A_7 {offsets = [6], sizes = [1], strides = [1]} : vector<16xi32> to vector<1xi32>
    %squeeze3A_269 = vector.extract %slice3A_268[0] : i32 from vector<1xi32>
    %multiple_of3A_270 = tpu.assume_multiple %squeeze3A_269, 32 : i32
    %add3A_271 = arith.constant 22 : i32
    %add3A_272 = arith.addi %mul3A_2, %add3A_271 : i32
    %mul3A_273 = arith.constant 1600 : i32
    %mul3A_274 = arith.muli %add3A_272, %mul3A_273 : i32
    %multiple_of3A_275 = tpu.assume_multiple %mul3A_274, 1600 : i32
    %dma_start3A_276 = tpu.memref_slice %arg6[%multiple_of3A_270] : memref<3200xf32, #tpu.memory_space<vmem>> -> memref<1600xf32, #tpu.memory_space<vmem>>
    %dma_start3A_277 = tpu.memref_slice %arg4[%multiple_of3A_275] : memref<1638400xf32, #tpu.memory_space<hbm>> -> memref<1600xf32, #tpu.memory_space<hbm>>
    %dma_start3A_278 = tpu.memref_slice %arg4[%multiple_of3A_275] : memref<1638400xf32, #tpu.memory_space<hbm>> -> memref<1600xf32, #tpu.memory_space<hbm>>
    %dma_start3A_279 = tpu.memref_slice %arg6[%multiple_of3A_270] : memref<3200xf32, #tpu.memory_space<vmem>> -> memref<1600xf32, #tpu.memory_space<vmem>>
    tpu.enqueue_dma source(%dma_start3A_279 : memref<1600xf32, #tpu.memory_space<vmem>>) target(%dma_start3A_278 : memref<1600xf32, #tpu.memory_space<hbm>>) target_semaphore(%arg8 : memref<!tpu.dma_semaphore, #tpu.memory_space<semaphore_mem>>)
    %slice3A_280 = vector.extract_strided_slice %get3A_7 {offsets = [7], sizes = [1], strides = [1]} : vector<16xi32> to vector<1xi32>
    %squeeze3A_281 = vector.extract %slice3A_280[0] : i32 from vector<1xi32>
    %multiple_of3A_282 = tpu.assume_multiple %squeeze3A_281, 32 : i32
    %add3A_283 = arith.constant 23 : i32
    %add3A_284 = arith.addi %mul3A_2, %add3A_283 : i32
    %mul3A_285 = arith.constant 1600 : i32
    %mul3A_286 = arith.muli %add3A_284, %mul3A_285 : i32
    %multiple_of3A_287 = tpu.assume_multiple %mul3A_286, 1600 : i32
    %dma_start3A_288 = tpu.memref_slice %arg6[%multiple_of3A_282] : memref<3200xf32, #tpu.memory_space<vmem>> -> memref<1600xf32, #tpu.memory_space<vmem>>
    %dma_start3A_289 = tpu.memref_slice %arg4[%multiple_of3A_287] : memref<1638400xf32, #tpu.memory_space<hbm>> -> memref<1600xf32, #tpu.memory_space<hbm>>
    %dma_start3A_290 = tpu.memref_slice %arg4[%multiple_of3A_287] : memref<1638400xf32, #tpu.memory_space<hbm>> -> memref<1600xf32, #tpu.memory_space<hbm>>
    %dma_start3A_291 = tpu.memref_slice %arg6[%multiple_of3A_282] : memref<3200xf32, #tpu.memory_space<vmem>> -> memref<1600xf32, #tpu.memory_space<vmem>>
    tpu.enqueue_dma source(%dma_start3A_291 : memref<1600xf32, #tpu.memory_space<vmem>>) target(%dma_start3A_290 : memref<1600xf32, #tpu.memory_space<hbm>>) target_semaphore(%arg8 : memref<!tpu.dma_semaphore, #tpu.memory_space<semaphore_mem>>)
    %slice3A_292 = vector.extract_strided_slice %get3A_7 {offsets = [8], sizes = [1], strides = [1]} : vector<16xi32> to vector<1xi32>
    %squeeze3A_293 = vector.extract %slice3A_292[0] : i32 from vector<1xi32>
    %multiple_of3A_294 = tpu.assume_multiple %squeeze3A_293, 32 : i32
    %add3A_295 = arith.constant 24 : i32
    %add3A_296 = arith.addi %mul3A_2, %add3A_295 : i32
    %mul3A_297 = arith.constant 1600 : i32
    %mul3A_298 = arith.muli %add3A_296, %mul3A_297 : i32
    %multiple_of3A_299 = tpu.assume_multiple %mul3A_298, 1600 : i32
    %dma_start3A_300 = tpu.memref_slice %arg6[%multiple_of3A_294] : memref<3200xf32, #tpu.memory_space<vmem>> -> memref<1600xf32, #tpu.memory_space<vmem>>
    %dma_start3A_301 = tpu.memref_slice %arg4[%multiple_of3A_299] : memref<1638400xf32, #tpu.memory_space<hbm>> -> memref<1600xf32, #tpu.memory_space<hbm>>
    %dma_start3A_302 = tpu.memref_slice %arg4[%multiple_of3A_299] : memref<1638400xf32, #tpu.memory_space<hbm>> -> memref<1600xf32, #tpu.memory_space<hbm>>
    %dma_start3A_303 = tpu.memref_slice %arg6[%multiple_of3A_294] : memref<3200xf32, #tpu.memory_space<vmem>> -> memref<1600xf32, #tpu.memory_space<vmem>>
    tpu.enqueue_dma source(%dma_start3A_303 : memref<1600xf32, #tpu.memory_space<vmem>>) target(%dma_start3A_302 : memref<1600xf32, #tpu.memory_space<hbm>>) target_semaphore(%arg8 : memref<!tpu.dma_semaphore, #tpu.memory_space<semaphore_mem>>)
    %slice3A_304 = vector.extract_strided_slice %get3A_7 {offsets = [9], sizes = [1], strides = [1]} : vector<16xi32> to vector<1xi32>
    %squeeze3A_305 = vector.extract %slice3A_304[0] : i32 from vector<1xi32>
    %multiple_of3A_306 = tpu.assume_multiple %squeeze3A_305, 32 : i32
    %add3A_307 = arith.constant 25 : i32
    %add3A_308 = arith.addi %mul3A_2, %add3A_307 : i32
    %mul3A_309 = arith.constant 1600 : i32
    %mul3A_310 = arith.muli %add3A_308, %mul3A_309 : i32
    %multiple_of3A_311 = tpu.assume_multiple %mul3A_310, 1600 : i32
    %dma_start3A_312 = tpu.memref_slice %arg6[%multiple_of3A_306] : memref<3200xf32, #tpu.memory_space<vmem>> -> memref<1600xf32, #tpu.memory_space<vmem>>
    %dma_start3A_313 = tpu.memref_slice %arg4[%multiple_of3A_311] : memref<1638400xf32, #tpu.memory_space<hbm>> -> memref<1600xf32, #tpu.memory_space<hbm>>
    %dma_start3A_314 = tpu.memref_slice %arg4[%multiple_of3A_311] : memref<1638400xf32, #tpu.memory_space<hbm>> -> memref<1600xf32, #tpu.memory_space<hbm>>
    %dma_start3A_315 = tpu.memref_slice %arg6[%multiple_of3A_306] : memref<3200xf32, #tpu.memory_space<vmem>> -> memref<1600xf32, #tpu.memory_space<vmem>>
    tpu.enqueue_dma source(%dma_start3A_315 : memref<1600xf32, #tpu.memory_space<vmem>>) target(%dma_start3A_314 : memref<1600xf32, #tpu.memory_space<hbm>>) target_semaphore(%arg8 : memref<!tpu.dma_semaphore, #tpu.memory_space<semaphore_mem>>)
    %slice3A_316 = vector.extract_strided_slice %get3A_7 {offsets = [10], sizes = [1], strides = [1]} : vector<16xi32> to vector<1xi32>
    %squeeze3A_317 = vector.extract %slice3A_316[0] : i32 from vector<1xi32>
    %multiple_of3A_318 = tpu.assume_multiple %squeeze3A_317, 32 : i32
    %add3A_319 = arith.constant 26 : i32
    %add3A_320 = arith.addi %mul3A_2, %add3A_319 : i32
    %mul3A_321 = arith.constant 1600 : i32
    %mul3A_322 = arith.muli %add3A_320, %mul3A_321 : i32
    %multiple_of3A_323 = tpu.assume_multiple %mul3A_322, 1600 : i32
    %dma_start3A_324 = tpu.memref_slice %arg6[%multiple_of3A_318] : memref<3200xf32, #tpu.memory_space<vmem>> -> memref<1600xf32, #tpu.memory_space<vmem>>
    %dma_start3A_325 = tpu.memref_slice %arg4[%multiple_of3A_323] : memref<1638400xf32, #tpu.memory_space<hbm>> -> memref<1600xf32, #tpu.memory_space<hbm>>
    %dma_start3A_326 = tpu.memref_slice %arg4[%multiple_of3A_323] : memref<1638400xf32, #tpu.memory_space<hbm>> -> memref<1600xf32, #tpu.memory_space<hbm>>
    %dma_start3A_327 = tpu.memref_slice %arg6[%multiple_of3A_318] : memref<3200xf32, #tpu.memory_space<vmem>> -> memref<1600xf32, #tpu.memory_space<vmem>>
    tpu.enqueue_dma source(%dma_start3A_327 : memref<1600xf32, #tpu.memory_space<vmem>>) target(%dma_start3A_326 : memref<1600xf32, #tpu.memory_space<hbm>>) target_semaphore(%arg8 : memref<!tpu.dma_semaphore, #tpu.memory_space<semaphore_mem>>)
    %slice3A_328 = vector.extract_strided_slice %get3A_7 {offsets = [11], sizes = [1], strides = [1]} : vector<16xi32> to vector<1xi32>
    %squeeze3A_329 = vector.extract %slice3A_328[0] : i32 from vector<1xi32>
    %multiple_of3A_330 = tpu.assume_multiple %squeeze3A_329, 32 : i32
    %add3A_331 = arith.constant 27 : i32
    %add3A_332 = arith.addi %mul3A_2, %add3A_331 : i32
    %mul3A_333 = arith.constant 1600 : i32
    %mul3A_334 = arith.muli %add3A_332, %mul3A_333 : i32
    %multiple_of3A_335 = tpu.assume_multiple %mul3A_334, 1600 : i32
    %dma_start3A_336 = tpu.memref_slice %arg6[%multiple_of3A_330] : memref<3200xf32, #tpu.memory_space<vmem>> -> memref<1600xf32, #tpu.memory_space<vmem>>
    %dma_start3A_337 = tpu.memref_slice %arg4[%multiple_of3A_335] : memref<1638400xf32, #tpu.memory_space<hbm>> -> memref<1600xf32, #tpu.memory_space<hbm>>
    %dma_start3A_338 = tpu.memref_slice %arg4[%multiple_of3A_335] : memref<1638400xf32, #tpu.memory_space<hbm>> -> memref<1600xf32, #tpu.memory_space<hbm>>
    %dma_start3A_339 = tpu.memref_slice %arg6[%multiple_of3A_330] : memref<3200xf32, #tpu.memory_space<vmem>> -> memref<1600xf32, #tpu.memory_space<vmem>>
    tpu.enqueue_dma source(%dma_start3A_339 : memref<1600xf32, #tpu.memory_space<vmem>>) target(%dma_start3A_338 : memref<1600xf32, #tpu.memory_space<hbm>>) target_semaphore(%arg8 : memref<!tpu.dma_semaphore, #tpu.memory_space<semaphore_mem>>)
    %slice3A_340 = vector.extract_strided_slice %get3A_7 {offsets = [12], sizes = [1], strides = [1]} : vector<16xi32> to vector<1xi32>
    %squeeze3A_341 = vector.extract %slice3A_340[0] : i32 from vector<1xi32>
    %multiple_of3A_342 = tpu.assume_multiple %squeeze3A_341, 32 : i32
    %add3A_343 = arith.constant 28 : i32
    %add3A_344 = arith.addi %mul3A_2, %add3A_343 : i32
    %mul3A_345 = arith.constant 1600 : i32
    %mul3A_346 = arith.muli %add3A_344, %mul3A_345 : i32
    %multiple_of3A_347 = tpu.assume_multiple %mul3A_346, 1600 : i32
    %dma_start3A_348 = tpu.memref_slice %arg6[%multiple_of3A_342] : memref<3200xf32, #tpu.memory_space<vmem>> -> memref<1600xf32, #tpu.memory_space<vmem>>
    %dma_start3A_349 = tpu.memref_slice %arg4[%multiple_of3A_347] : memref<1638400xf32, #tpu.memory_space<hbm>> -> memref<1600xf32, #tpu.memory_space<hbm>>
    %dma_start3A_350 = tpu.memref_slice %arg4[%multiple_of3A_347] : memref<1638400xf32, #tpu.memory_space<hbm>> -> memref<1600xf32, #tpu.memory_space<hbm>>
    %dma_start3A_351 = tpu.memref_slice %arg6[%multiple_of3A_342] : memref<3200xf32, #tpu.memory_space<vmem>> -> memref<1600xf32, #tpu.memory_space<vmem>>
    tpu.enqueue_dma source(%dma_start3A_351 : memref<1600xf32, #tpu.memory_space<vmem>>) target(%dma_start3A_350 : memref<1600xf32, #tpu.memory_space<hbm>>) target_semaphore(%arg8 : memref<!tpu.dma_semaphore, #tpu.memory_space<semaphore_mem>>)
    %slice3A_352 = vector.extract_strided_slice %get3A_7 {offsets = [13], sizes = [1], strides = [1]} : vector<16xi32> to vector<1xi32>
    %squeeze3A_353 = vector.extract %slice3A_352[0] : i32 from vector<1xi32>
    %multiple_of3A_354 = tpu.assume_multiple %squeeze3A_353, 32 : i32
    %add3A_355 = arith.constant 29 : i32
    %add3A_356 = arith.addi %mul3A_2, %add3A_355 : i32
    %mul3A_357 = arith.constant 1600 : i32
    %mul3A_358 = arith.muli %add3A_356, %mul3A_357 : i32
    %multiple_of3A_359 = tpu.assume_multiple %mul3A_358, 1600 : i32
    %dma_start3A_360 = tpu.memref_slice %arg6[%multiple_of3A_354] : memref<3200xf32, #tpu.memory_space<vmem>> -> memref<1600xf32, #tpu.memory_space<vmem>>
    %dma_start3A_361 = tpu.memref_slice %arg4[%multiple_of3A_359] : memref<1638400xf32, #tpu.memory_space<hbm>> -> memref<1600xf32, #tpu.memory_space<hbm>>
    %dma_start3A_362 = tpu.memref_slice %arg4[%multiple_of3A_359] : memref<1638400xf32, #tpu.memory_space<hbm>> -> memref<1600xf32, #tpu.memory_space<hbm>>
    %dma_start3A_363 = tpu.memref_slice %arg6[%multiple_of3A_354] : memref<3200xf32, #tpu.memory_space<vmem>> -> memref<1600xf32, #tpu.memory_space<vmem>>
    tpu.enqueue_dma source(%dma_start3A_363 : memref<1600xf32, #tpu.memory_space<vmem>>) target(%dma_start3A_362 : memref<1600xf32, #tpu.memory_space<hbm>>) target_semaphore(%arg8 : memref<!tpu.dma_semaphore, #tpu.memory_space<semaphore_mem>>)
    %slice3A_364 = vector.extract_strided_slice %get3A_7 {offsets = [14], sizes = [1], strides = [1]} : vector<16xi32> to vector<1xi32>
    %squeeze3A_365 = vector.extract %slice3A_364[0] : i32 from vector<1xi32>
    %multiple_of3A_366 = tpu.assume_multiple %squeeze3A_365, 32 : i32
    %add3A_367 = arith.constant 30 : i32
    %add3A_368 = arith.addi %mul3A_2, %add3A_367 : i32
    %mul3A_369 = arith.constant 1600 : i32
    %mul3A_370 = arith.muli %add3A_368, %mul3A_369 : i32
    %multiple_of3A_371 = tpu.assume_multiple %mul3A_370, 1600 : i32
    %dma_start3A_372 = tpu.memref_slice %arg6[%multiple_of3A_366] : memref<3200xf32, #tpu.memory_space<vmem>> -> memref<1600xf32, #tpu.memory_space<vmem>>
    %dma_start3A_373 = tpu.memref_slice %arg4[%multiple_of3A_371] : memref<1638400xf32, #tpu.memory_space<hbm>> -> memref<1600xf32, #tpu.memory_space<hbm>>
    %dma_start3A_374 = tpu.memref_slice %arg4[%multiple_of3A_371] : memref<1638400xf32, #tpu.memory_space<hbm>> -> memref<1600xf32, #tpu.memory_space<hbm>>
    %dma_start3A_375 = tpu.memref_slice %arg6[%multiple_of3A_366] : memref<3200xf32, #tpu.memory_space<vmem>> -> memref<1600xf32, #tpu.memory_space<vmem>>
    tpu.enqueue_dma source(%dma_start3A_375 : memref<1600xf32, #tpu.memory_space<vmem>>) target(%dma_start3A_374 : memref<1600xf32, #tpu.memory_space<hbm>>) target_semaphore(%arg8 : memref<!tpu.dma_semaphore, #tpu.memory_space<semaphore_mem>>)
    %slice3A_376 = vector.extract_strided_slice %get3A_7 {offsets = [15], sizes = [1], strides = [1]} : vector<16xi32> to vector<1xi32>
    %squeeze3A_377 = vector.extract %slice3A_376[0] : i32 from vector<1xi32>
    %multiple_of3A_378 = tpu.assume_multiple %squeeze3A_377, 32 : i32
    %add3A_379 = arith.constant 31 : i32
    %add3A_380 = arith.addi %mul3A_2, %add3A_379 : i32
    %mul3A_381 = arith.constant 1600 : i32
    %mul3A_382 = arith.muli %add3A_380, %mul3A_381 : i32
    %multiple_of3A_383 = tpu.assume_multiple %mul3A_382, 1600 : i32
    %dma_start3A_384 = tpu.memref_slice %arg6[%multiple_of3A_378] : memref<3200xf32, #tpu.memory_space<vmem>> -> memref<1600xf32, #tpu.memory_space<vmem>>
    %dma_start3A_385 = tpu.memref_slice %arg4[%multiple_of3A_383] : memref<1638400xf32, #tpu.memory_space<hbm>> -> memref<1600xf32, #tpu.memory_space<hbm>>
    %dma_start3A_386 = tpu.memref_slice %arg4[%multiple_of3A_383] : memref<1638400xf32, #tpu.memory_space<hbm>> -> memref<1600xf32, #tpu.memory_space<hbm>>
    %dma_start3A_387 = tpu.memref_slice %arg6[%multiple_of3A_378] : memref<3200xf32, #tpu.memory_space<vmem>> -> memref<1600xf32, #tpu.memory_space<vmem>>
    tpu.enqueue_dma source(%dma_start3A_387 : memref<1600xf32, #tpu.memory_space<vmem>>) target(%dma_start3A_386 : memref<1600xf32, #tpu.memory_space<hbm>>) target_semaphore(%arg8 : memref<!tpu.dma_semaphore, #tpu.memory_space<semaphore_mem>>)
    %dma_wait3A = tpu.memref_slice %arg6[%multiple_of3A] : memref<3200xf32, #tpu.memory_space<vmem>> -> memref<1600xf32, #tpu.memory_space<vmem>>
    %dma_wait3A_388 = tpu.memref_slice %arg4[%multiple_of3A_12] : memref<1638400xf32, #tpu.memory_space<hbm>> -> memref<1600xf32, #tpu.memory_space<hbm>>
    %dma_wait3A_389 = tpu.memref_slice %arg4[%multiple_of3A_12] : memref<1638400xf32, #tpu.memory_space<hbm>> -> memref<1600xf32, #tpu.memory_space<hbm>>
    %dma_wait3A_390 = tpu.memref_slice %arg6[%multiple_of3A] : memref<3200xf32, #tpu.memory_space<vmem>> -> memref<1600xf32, #tpu.memory_space<vmem>>
    tpu.wait_dma2 semaphore(%arg8 : memref<!tpu.dma_semaphore, #tpu.memory_space<semaphore_mem>>) src(%dma_wait3A_390 : memref<1600xf32, #tpu.memory_space<vmem>>) dst(%dma_wait3A_389 : memref<1600xf32, #tpu.memory_space<hbm>>)
    %dma_wait3A_391 = tpu.memref_slice %arg6[%multiple_of3A_18] : memref<3200xf32, #tpu.memory_space<vmem>> -> memref<1600xf32, #tpu.memory_space<vmem>>
    %dma_wait3A_392 = tpu.memref_slice %arg4[%multiple_of3A_23] : memref<1638400xf32, #tpu.memory_space<hbm>> -> memref<1600xf32, #tpu.memory_space<hbm>>
    %dma_wait3A_393 = tpu.memref_slice %arg4[%multiple_of3A_23] : memref<1638400xf32, #tpu.memory_space<hbm>> -> memref<1600xf32, #tpu.memory_space<hbm>>
    %dma_wait3A_394 = tpu.memref_slice %arg6[%multiple_of3A_18] : memref<3200xf32, #tpu.memory_space<vmem>> -> memref<1600xf32, #tpu.memory_space<vmem>>
    tpu.wait_dma2 semaphore(%arg8 : memref<!tpu.dma_semaphore, #tpu.memory_space<semaphore_mem>>) src(%dma_wait3A_394 : memref<1600xf32, #tpu.memory_space<vmem>>) dst(%dma_wait3A_393 : memref<1600xf32, #tpu.memory_space<hbm>>)
    %dma_wait3A_395 = tpu.memref_slice %arg6[%multiple_of3A_30] : memref<3200xf32, #tpu.memory_space<vmem>> -> memref<1600xf32, #tpu.memory_space<vmem>>
    %dma_wait3A_396 = tpu.memref_slice %arg4[%multiple_of3A_35] : memref<1638400xf32, #tpu.memory_space<hbm>> -> memref<1600xf32, #tpu.memory_space<hbm>>
    %dma_wait3A_397 = tpu.memref_slice %arg4[%multiple_of3A_35] : memref<1638400xf32, #tpu.memory_space<hbm>> -> memref<1600xf32, #tpu.memory_space<hbm>>
    %dma_wait3A_398 = tpu.memref_slice %arg6[%multiple_of3A_30] : memref<3200xf32, #tpu.memory_space<vmem>> -> memref<1600xf32, #tpu.memory_space<vmem>>
    tpu.wait_dma2 semaphore(%arg8 : memref<!tpu.dma_semaphore, #tpu.memory_space<semaphore_mem>>) src(%dma_wait3A_398 : memref<1600xf32, #tpu.memory_space<vmem>>) dst(%dma_wait3A_397 : memref<1600xf32, #tpu.memory_space<hbm>>)
    %dma_wait3A_399 = tpu.memref_slice %arg6[%multiple_of3A_42] : memref<3200xf32, #tpu.memory_space<vmem>> -> memref<1600xf32, #tpu.memory_space<vmem>>
    %dma_wait3A_400 = tpu.memref_slice %arg4[%multiple_of3A_47] : memref<1638400xf32, #tpu.memory_space<hbm>> -> memref<1600xf32, #tpu.memory_space<hbm>>
    %dma_wait3A_401 = tpu.memref_slice %arg4[%multiple_of3A_47] : memref<1638400xf32, #tpu.memory_space<hbm>> -> memref<1600xf32, #tpu.memory_space<hbm>>
    %dma_wait3A_402 = tpu.memref_slice %arg6[%multiple_of3A_42] : memref<3200xf32, #tpu.memory_space<vmem>> -> memref<1600xf32, #tpu.memory_space<vmem>>
    tpu.wait_dma2 semaphore(%arg8 : memref<!tpu.dma_semaphore, #tpu.memory_space<semaphore_mem>>) src(%dma_wait3A_402 : memref<1600xf32, #tpu.memory_space<vmem>>) dst(%dma_wait3A_401 : memref<1600xf32, #tpu.memory_space<hbm>>)
    %dma_wait3A_403 = tpu.memref_slice %arg6[%multiple_of3A_54] : memref<3200xf32, #tpu.memory_space<vmem>> -> memref<1600xf32, #tpu.memory_space<vmem>>
    %dma_wait3A_404 = tpu.memref_slice %arg4[%multiple_of3A_59] : memref<1638400xf32, #tpu.memory_space<hbm>> -> memref<1600xf32, #tpu.memory_space<hbm>>
    %dma_wait3A_405 = tpu.memref_slice %arg4[%multiple_of3A_59] : memref<1638400xf32, #tpu.memory_space<hbm>> -> memref<1600xf32, #tpu.memory_space<hbm>>
    %dma_wait3A_406 = tpu.memref_slice %arg6[%multiple_of3A_54] : memref<3200xf32, #tpu.memory_space<vmem>> -> memref<1600xf32, #tpu.memory_space<vmem>>
    tpu.wait_dma2 semaphore(%arg8 : memref<!tpu.dma_semaphore, #tpu.memory_space<semaphore_mem>>) src(%dma_wait3A_406 : memref<1600xf32, #tpu.memory_space<vmem>>) dst(%dma_wait3A_405 : memref<1600xf32, #tpu.memory_space<hbm>>)
    %dma_wait3A_407 = tpu.memref_slice %arg6[%multiple_of3A_66] : memref<3200xf32, #tpu.memory_space<vmem>> -> memref<1600xf32, #tpu.memory_space<vmem>>
    %dma_wait3A_408 = tpu.memref_slice %arg4[%multiple_of3A_71] : memref<1638400xf32, #tpu.memory_space<hbm>> -> memref<1600xf32, #tpu.memory_space<hbm>>
    %dma_wait3A_409 = tpu.memref_slice %arg4[%multiple_of3A_71] : memref<1638400xf32, #tpu.memory_space<hbm>> -> memref<1600xf32, #tpu.memory_space<hbm>>
    %dma_wait3A_410 = tpu.memref_slice %arg6[%multiple_of3A_66] : memref<3200xf32, #tpu.memory_space<vmem>> -> memref<1600xf32, #tpu.memory_space<vmem>>
    tpu.wait_dma2 semaphore(%arg8 : memref<!tpu.dma_semaphore, #tpu.memory_space<semaphore_mem>>) src(%dma_wait3A_410 : memref<1600xf32, #tpu.memory_space<vmem>>) dst(%dma_wait3A_409 : memref<1600xf32, #tpu.memory_space<hbm>>)
    %dma_wait3A_411 = tpu.memref_slice %arg6[%multiple_of3A_78] : memref<3200xf32, #tpu.memory_space<vmem>> -> memref<1600xf32, #tpu.memory_space<vmem>>
    %dma_wait3A_412 = tpu.memref_slice %arg4[%multiple_of3A_83] : memref<1638400xf32, #tpu.memory_space<hbm>> -> memref<1600xf32, #tpu.memory_space<hbm>>
    %dma_wait3A_413 = tpu.memref_slice %arg4[%multiple_of3A_83] : memref<1638400xf32, #tpu.memory_space<hbm>> -> memref<1600xf32, #tpu.memory_space<hbm>>
    %dma_wait3A_414 = tpu.memref_slice %arg6[%multiple_of3A_78] : memref<3200xf32, #tpu.memory_space<vmem>> -> memref<1600xf32, #tpu.memory_space<vmem>>
    tpu.wait_dma2 semaphore(%arg8 : memref<!tpu.dma_semaphore, #tpu.memory_space<semaphore_mem>>) src(%dma_wait3A_414 : memref<1600xf32, #tpu.memory_space<vmem>>) dst(%dma_wait3A_413 : memref<1600xf32, #tpu.memory_space<hbm>>)
    %dma_wait3A_415 = tpu.memref_slice %arg6[%multiple_of3A_90] : memref<3200xf32, #tpu.memory_space<vmem>> -> memref<1600xf32, #tpu.memory_space<vmem>>
    %dma_wait3A_416 = tpu.memref_slice %arg4[%multiple_of3A_95] : memref<1638400xf32, #tpu.memory_space<hbm>> -> memref<1600xf32, #tpu.memory_space<hbm>>
    %dma_wait3A_417 = tpu.memref_slice %arg4[%multiple_of3A_95] : memref<1638400xf32, #tpu.memory_space<hbm>> -> memref<1600xf32, #tpu.memory_space<hbm>>
    %dma_wait3A_418 = tpu.memref_slice %arg6[%multiple_of3A_90] : memref<3200xf32, #tpu.memory_space<vmem>> -> memref<1600xf32, #tpu.memory_space<vmem>>
    tpu.wait_dma2 semaphore(%arg8 : memref<!tpu.dma_semaphore, #tpu.memory_space<semaphore_mem>>) src(%dma_wait3A_418 : memref<1600xf32, #tpu.memory_space<vmem>>) dst(%dma_wait3A_417 : memref<1600xf32, #tpu.memory_space<hbm>>)
    %dma_wait3A_419 = tpu.memref_slice %arg6[%multiple_of3A_102] : memref<3200xf32, #tpu.memory_space<vmem>> -> memref<1600xf32, #tpu.memory_space<vmem>>
    %dma_wait3A_420 = tpu.memref_slice %arg4[%multiple_of3A_107] : memref<1638400xf32, #tpu.memory_space<hbm>> -> memref<1600xf32, #tpu.memory_space<hbm>>
    %dma_wait3A_421 = tpu.memref_slice %arg4[%multiple_of3A_107] : memref<1638400xf32, #tpu.memory_space<hbm>> -> memref<1600xf32, #tpu.memory_space<hbm>>
    %dma_wait3A_422 = tpu.memref_slice %arg6[%multiple_of3A_102] : memref<3200xf32, #tpu.memory_space<vmem>> -> memref<1600xf32, #tpu.memory_space<vmem>>
    tpu.wait_dma2 semaphore(%arg8 : memref<!tpu.dma_semaphore, #tpu.memory_space<semaphore_mem>>) src(%dma_wait3A_422 : memref<1600xf32, #tpu.memory_space<vmem>>) dst(%dma_wait3A_421 : memref<1600xf32, #tpu.memory_space<hbm>>)
    %dma_wait3A_423 = tpu.memref_slice %arg6[%multiple_of3A_114] : memref<3200xf32, #tpu.memory_space<vmem>> -> memref<1600xf32, #tpu.memory_space<vmem>>
    %dma_wait3A_424 = tpu.memref_slice %arg4[%multiple_of3A_119] : memref<1638400xf32, #tpu.memory_space<hbm>> -> memref<1600xf32, #tpu.memory_space<hbm>>
    %dma_wait3A_425 = tpu.memref_slice %arg4[%multiple_of3A_119] : memref<1638400xf32, #tpu.memory_space<hbm>> -> memref<1600xf32, #tpu.memory_space<hbm>>
    %dma_wait3A_426 = tpu.memref_slice %arg6[%multiple_of3A_114] : memref<3200xf32, #tpu.memory_space<vmem>> -> memref<1600xf32, #tpu.memory_space<vmem>>
    tpu.wait_dma2 semaphore(%arg8 : memref<!tpu.dma_semaphore, #tpu.memory_space<semaphore_mem>>) src(%dma_wait3A_426 : memref<1600xf32, #tpu.memory_space<vmem>>) dst(%dma_wait3A_425 : memref<1600xf32, #tpu.memory_space<hbm>>)
    %dma_wait3A_427 = tpu.memref_slice %arg6[%multiple_of3A_126] : memref<3200xf32, #tpu.memory_space<vmem>> -> memref<1600xf32, #tpu.memory_space<vmem>>
    %dma_wait3A_428 = tpu.memref_slice %arg4[%multiple_of3A_131] : memref<1638400xf32, #tpu.memory_space<hbm>> -> memref<1600xf32, #tpu.memory_space<hbm>>
    %dma_wait3A_429 = tpu.memref_slice %arg4[%multiple_of3A_131] : memref<1638400xf32, #tpu.memory_space<hbm>> -> memref<1600xf32, #tpu.memory_space<hbm>>
    %dma_wait3A_430 = tpu.memref_slice %arg6[%multiple_of3A_126] : memref<3200xf32, #tpu.memory_space<vmem>> -> memref<1600xf32, #tpu.memory_space<vmem>>
    tpu.wait_dma2 semaphore(%arg8 : memref<!tpu.dma_semaphore, #tpu.memory_space<semaphore_mem>>) src(%dma_wait3A_430 : memref<1600xf32, #tpu.memory_space<vmem>>) dst(%dma_wait3A_429 : memref<1600xf32, #tpu.memory_space<hbm>>)
    %dma_wait3A_431 = tpu.memref_slice %arg6[%multiple_of3A_138] : memref<3200xf32, #tpu.memory_space<vmem>> -> memref<1600xf32, #tpu.memory_space<vmem>>
    %dma_wait3A_432 = tpu.memref_slice %arg4[%multiple_of3A_143] : memref<1638400xf32, #tpu.memory_space<hbm>> -> memref<1600xf32, #tpu.memory_space<hbm>>
    %dma_wait3A_433 = tpu.memref_slice %arg4[%multiple_of3A_143] : memref<1638400xf32, #tpu.memory_space<hbm>> -> memref<1600xf32, #tpu.memory_space<hbm>>
    %dma_wait3A_434 = tpu.memref_slice %arg6[%multiple_of3A_138] : memref<3200xf32, #tpu.memory_space<vmem>> -> memref<1600xf32, #tpu.memory_space<vmem>>
    tpu.wait_dma2 semaphore(%arg8 : memref<!tpu.dma_semaphore, #tpu.memory_space<semaphore_mem>>) src(%dma_wait3A_434 : memref<1600xf32, #tpu.memory_space<vmem>>) dst(%dma_wait3A_433 : memref<1600xf32, #tpu.memory_space<hbm>>)
    %dma_wait3A_435 = tpu.memref_slice %arg6[%multiple_of3A_150] : memref<3200xf32, #tpu.memory_space<vmem>> -> memref<1600xf32, #tpu.memory_space<vmem>>
    %dma_wait3A_436 = tpu.memref_slice %arg4[%multiple_of3A_155] : memref<1638400xf32, #tpu.memory_space<hbm>> -> memref<1600xf32, #tpu.memory_space<hbm>>
    %dma_wait3A_437 = tpu.memref_slice %arg4[%multiple_of3A_155] : memref<1638400xf32, #tpu.memory_space<hbm>> -> memref<1600xf32, #tpu.memory_space<hbm>>
    %dma_wait3A_438 = tpu.memref_slice %arg6[%multiple_of3A_150] : memref<3200xf32, #tpu.memory_space<vmem>> -> memref<1600xf32, #tpu.memory_space<vmem>>
    tpu.wait_dma2 semaphore(%arg8 : memref<!tpu.dma_semaphore, #tpu.memory_space<semaphore_mem>>) src(%dma_wait3A_438 : memref<1600xf32, #tpu.memory_space<vmem>>) dst(%dma_wait3A_437 : memref<1600xf32, #tpu.memory_space<hbm>>)
    %dma_wait3A_439 = tpu.memref_slice %arg6[%multiple_of3A_162] : memref<3200xf32, #tpu.memory_space<vmem>> -> memref<1600xf32, #tpu.memory_space<vmem>>
    %dma_wait3A_440 = tpu.memref_slice %arg4[%multiple_of3A_167] : memref<1638400xf32, #tpu.memory_space<hbm>> -> memref<1600xf32, #tpu.memory_space<hbm>>
    %dma_wait3A_441 = tpu.memref_slice %arg4[%multiple_of3A_167] : memref<1638400xf32, #tpu.memory_space<hbm>> -> memref<1600xf32, #tpu.memory_space<hbm>>
    %dma_wait3A_442 = tpu.memref_slice %arg6[%multiple_of3A_162] : memref<3200xf32, #tpu.memory_space<vmem>> -> memref<1600xf32, #tpu.memory_space<vmem>>
    tpu.wait_dma2 semaphore(%arg8 : memref<!tpu.dma_semaphore, #tpu.memory_space<semaphore_mem>>) src(%dma_wait3A_442 : memref<1600xf32, #tpu.memory_space<vmem>>) dst(%dma_wait3A_441 : memref<1600xf32, #tpu.memory_space<hbm>>)
    %dma_wait3A_443 = tpu.memref_slice %arg6[%multiple_of3A_174] : memref<3200xf32, #tpu.memory_space<vmem>> -> memref<1600xf32, #tpu.memory_space<vmem>>
    %dma_wait3A_444 = tpu.memref_slice %arg4[%multiple_of3A_179] : memref<1638400xf32, #tpu.memory_space<hbm>> -> memref<1600xf32, #tpu.memory_space<hbm>>
    %dma_wait3A_445 = tpu.memref_slice %arg4[%multiple_of3A_179] : memref<1638400xf32, #tpu.memory_space<hbm>> -> memref<1600xf32, #tpu.memory_space<hbm>>
    %dma_wait3A_446 = tpu.memref_slice %arg6[%multiple_of3A_174] : memref<3200xf32, #tpu.memory_space<vmem>> -> memref<1600xf32, #tpu.memory_space<vmem>>
    tpu.wait_dma2 semaphore(%arg8 : memref<!tpu.dma_semaphore, #tpu.memory_space<semaphore_mem>>) src(%dma_wait3A_446 : memref<1600xf32, #tpu.memory_space<vmem>>) dst(%dma_wait3A_445 : memref<1600xf32, #tpu.memory_space<hbm>>)
    %dma_wait3A_447 = tpu.memref_slice %arg6[%multiple_of3A_186] : memref<3200xf32, #tpu.memory_space<vmem>> -> memref<1600xf32, #tpu.memory_space<vmem>>
    %dma_wait3A_448 = tpu.memref_slice %arg4[%multiple_of3A_191] : memref<1638400xf32, #tpu.memory_space<hbm>> -> memref<1600xf32, #tpu.memory_space<hbm>>
    %dma_wait3A_449 = tpu.memref_slice %arg4[%multiple_of3A_191] : memref<1638400xf32, #tpu.memory_space<hbm>> -> memref<1600xf32, #tpu.memory_space<hbm>>
    %dma_wait3A_450 = tpu.memref_slice %arg6[%multiple_of3A_186] : memref<3200xf32, #tpu.memory_space<vmem>> -> memref<1600xf32, #tpu.memory_space<vmem>>
    tpu.wait_dma2 semaphore(%arg8 : memref<!tpu.dma_semaphore, #tpu.memory_space<semaphore_mem>>) src(%dma_wait3A_450 : memref<1600xf32, #tpu.memory_space<vmem>>) dst(%dma_wait3A_449 : memref<1600xf32, #tpu.memory_space<hbm>>)
    %dma_wait3A_451 = tpu.memref_slice %arg6[%multiple_of3A_198] : memref<3200xf32, #tpu.memory_space<vmem>> -> memref<1600xf32, #tpu.memory_space<vmem>>
    %dma_wait3A_452 = tpu.memref_slice %arg4[%multiple_of3A_203] : memref<1638400xf32, #tpu.memory_space<hbm>> -> memref<1600xf32, #tpu.memory_space<hbm>>
    %dma_wait3A_453 = tpu.memref_slice %arg4[%multiple_of3A_203] : memref<1638400xf32, #tpu.memory_space<hbm>> -> memref<1600xf32, #tpu.memory_space<hbm>>
    %dma_wait3A_454 = tpu.memref_slice %arg6[%multiple_of3A_198] : memref<3200xf32, #tpu.memory_space<vmem>> -> memref<1600xf32, #tpu.memory_space<vmem>>
    tpu.wait_dma2 semaphore(%arg8 : memref<!tpu.dma_semaphore, #tpu.memory_space<semaphore_mem>>) src(%dma_wait3A_454 : memref<1600xf32, #tpu.memory_space<vmem>>) dst(%dma_wait3A_453 : memref<1600xf32, #tpu.memory_space<hbm>>)
    %dma_wait3A_455 = tpu.memref_slice %arg6[%multiple_of3A_210] : memref<3200xf32, #tpu.memory_space<vmem>> -> memref<1600xf32, #tpu.memory_space<vmem>>
    %dma_wait3A_456 = tpu.memref_slice %arg4[%multiple_of3A_215] : memref<1638400xf32, #tpu.memory_space<hbm>> -> memref<1600xf32, #tpu.memory_space<hbm>>
    %dma_wait3A_457 = tpu.memref_slice %arg4[%multiple_of3A_215] : memref<1638400xf32, #tpu.memory_space<hbm>> -> memref<1600xf32, #tpu.memory_space<hbm>>
    %dma_wait3A_458 = tpu.memref_slice %arg6[%multiple_of3A_210] : memref<3200xf32, #tpu.memory_space<vmem>> -> memref<1600xf32, #tpu.memory_space<vmem>>
    tpu.wait_dma2 semaphore(%arg8 : memref<!tpu.dma_semaphore, #tpu.memory_space<semaphore_mem>>) src(%dma_wait3A_458 : memref<1600xf32, #tpu.memory_space<vmem>>) dst(%dma_wait3A_457 : memref<1600xf32, #tpu.memory_space<hbm>>)
    %dma_wait3A_459 = tpu.memref_slice %arg6[%multiple_of3A_222] : memref<3200xf32, #tpu.memory_space<vmem>> -> memref<1600xf32, #tpu.memory_space<vmem>>
    %dma_wait3A_460 = tpu.memref_slice %arg4[%multiple_of3A_227] : memref<1638400xf32, #tpu.memory_space<hbm>> -> memref<1600xf32, #tpu.memory_space<hbm>>
    %dma_wait3A_461 = tpu.memref_slice %arg4[%multiple_of3A_227] : memref<1638400xf32, #tpu.memory_space<hbm>> -> memref<1600xf32, #tpu.memory_space<hbm>>
    %dma_wait3A_462 = tpu.memref_slice %arg6[%multiple_of3A_222] : memref<3200xf32, #tpu.memory_space<vmem>> -> memref<1600xf32, #tpu.memory_space<vmem>>
    tpu.wait_dma2 semaphore(%arg8 : memref<!tpu.dma_semaphore, #tpu.memory_space<semaphore_mem>>) src(%dma_wait3A_462 : memref<1600xf32, #tpu.memory_space<vmem>>) dst(%dma_wait3A_461 : memref<1600xf32, #tpu.memory_space<hbm>>)
    %dma_wait3A_463 = tpu.memref_slice %arg6[%multiple_of3A_234] : memref<3200xf32, #tpu.memory_space<vmem>> -> memref<1600xf32, #tpu.memory_space<vmem>>
    %dma_wait3A_464 = tpu.memref_slice %arg4[%multiple_of3A_239] : memref<1638400xf32, #tpu.memory_space<hbm>> -> memref<1600xf32, #tpu.memory_space<hbm>>
    %dma_wait3A_465 = tpu.memref_slice %arg4[%multiple_of3A_239] : memref<1638400xf32, #tpu.memory_space<hbm>> -> memref<1600xf32, #tpu.memory_space<hbm>>
    %dma_wait3A_466 = tpu.memref_slice %arg6[%multiple_of3A_234] : memref<3200xf32, #tpu.memory_space<vmem>> -> memref<1600xf32, #tpu.memory_space<vmem>>
    tpu.wait_dma2 semaphore(%arg8 : memref<!tpu.dma_semaphore, #tpu.memory_space<semaphore_mem>>) src(%dma_wait3A_466 : memref<1600xf32, #tpu.memory_space<vmem>>) dst(%dma_wait3A_465 : memref<1600xf32, #tpu.memory_space<hbm>>)
    %dma_wait3A_467 = tpu.memref_slice %arg6[%multiple_of3A_246] : memref<3200xf32, #tpu.memory_space<vmem>> -> memref<1600xf32, #tpu.memory_space<vmem>>
    %dma_wait3A_468 = tpu.memref_slice %arg4[%multiple_of3A_251] : memref<1638400xf32, #tpu.memory_space<hbm>> -> memref<1600xf32, #tpu.memory_space<hbm>>
    %dma_wait3A_469 = tpu.memref_slice %arg4[%multiple_of3A_251] : memref<1638400xf32, #tpu.memory_space<hbm>> -> memref<1600xf32, #tpu.memory_space<hbm>>
    %dma_wait3A_470 = tpu.memref_slice %arg6[%multiple_of3A_246] : memref<3200xf32, #tpu.memory_space<vmem>> -> memref<1600xf32, #tpu.memory_space<vmem>>
    tpu.wait_dma2 semaphore(%arg8 : memref<!tpu.dma_semaphore, #tpu.memory_space<semaphore_mem>>) src(%dma_wait3A_470 : memref<1600xf32, #tpu.memory_space<vmem>>) dst(%dma_wait3A_469 : memref<1600xf32, #tpu.memory_space<hbm>>)
    %dma_wait3A_471 = tpu.memref_slice %arg6[%multiple_of3A_258] : memref<3200xf32, #tpu.memory_space<vmem>> -> memref<1600xf32, #tpu.memory_space<vmem>>
    %dma_wait3A_472 = tpu.memref_slice %arg4[%multiple_of3A_263] : memref<1638400xf32, #tpu.memory_space<hbm>> -> memref<1600xf32, #tpu.memory_space<hbm>>
    %dma_wait3A_473 = tpu.memref_slice %arg4[%multiple_of3A_263] : memref<1638400xf32, #tpu.memory_space<hbm>> -> memref<1600xf32, #tpu.memory_space<hbm>>
    %dma_wait3A_474 = tpu.memref_slice %arg6[%multiple_of3A_258] : memref<3200xf32, #tpu.memory_space<vmem>> -> memref<1600xf32, #tpu.memory_space<vmem>>
    tpu.wait_dma2 semaphore(%arg8 : memref<!tpu.dma_semaphore, #tpu.memory_space<semaphore_mem>>) src(%dma_wait3A_474 : memref<1600xf32, #tpu.memory_space<vmem>>) dst(%dma_wait3A_473 : memref<1600xf32, #tpu.memory_space<hbm>>)
    %dma_wait3A_475 = tpu.memref_slice %arg6[%multiple_of3A_270] : memref<3200xf32, #tpu.memory_space<vmem>> -> memref<1600xf32, #tpu.memory_space<vmem>>
    %dma_wait3A_476 = tpu.memref_slice %arg4[%multiple_of3A_275] : memref<1638400xf32, #tpu.memory_space<hbm>> -> memref<1600xf32, #tpu.memory_space<hbm>>
    %dma_wait3A_477 = tpu.memref_slice %arg4[%multiple_of3A_275] : memref<1638400xf32, #tpu.memory_space<hbm>> -> memref<1600xf32, #tpu.memory_space<hbm>>
    %dma_wait3A_478 = tpu.memref_slice %arg6[%multiple_of3A_270] : memref<3200xf32, #tpu.memory_space<vmem>> -> memref<1600xf32, #tpu.memory_space<vmem>>
    tpu.wait_dma2 semaphore(%arg8 : memref<!tpu.dma_semaphore, #tpu.memory_space<semaphore_mem>>) src(%dma_wait3A_478 : memref<1600xf32, #tpu.memory_space<vmem>>) dst(%dma_wait3A_477 : memref<1600xf32, #tpu.memory_space<hbm>>)
    %dma_wait3A_479 = tpu.memref_slice %arg6[%multiple_of3A_282] : memref<3200xf32, #tpu.memory_space<vmem>> -> memref<1600xf32, #tpu.memory_space<vmem>>
    %dma_wait3A_480 = tpu.memref_slice %arg4[%multiple_of3A_287] : memref<1638400xf32, #tpu.memory_space<hbm>> -> memref<1600xf32, #tpu.memory_space<hbm>>
    %dma_wait3A_481 = tpu.memref_slice %arg4[%multiple_of3A_287] : memref<1638400xf32, #tpu.memory_space<hbm>> -> memref<1600xf32, #tpu.memory_space<hbm>>
    %dma_wait3A_482 = tpu.memref_slice %arg6[%multiple_of3A_282] : memref<3200xf32, #tpu.memory_space<vmem>> -> memref<1600xf32, #tpu.memory_space<vmem>>
    tpu.wait_dma2 semaphore(%arg8 : memref<!tpu.dma_semaphore, #tpu.memory_space<semaphore_mem>>) src(%dma_wait3A_482 : memref<1600xf32, #tpu.memory_space<vmem>>) dst(%dma_wait3A_481 : memref<1600xf32, #tpu.memory_space<hbm>>)
    %dma_wait3A_483 = tpu.memref_slice %arg6[%multiple_of3A_294] : memref<3200xf32, #tpu.memory_space<vmem>> -> memref<1600xf32, #tpu.memory_space<vmem>>
    %dma_wait3A_484 = tpu.memref_slice %arg4[%multiple_of3A_299] : memref<1638400xf32, #tpu.memory_space<hbm>> -> memref<1600xf32, #tpu.memory_space<hbm>>
    %dma_wait3A_485 = tpu.memref_slice %arg4[%multiple_of3A_299] : memref<1638400xf32, #tpu.memory_space<hbm>> -> memref<1600xf32, #tpu.memory_space<hbm>>
    %dma_wait3A_486 = tpu.memref_slice %arg6[%multiple_of3A_294] : memref<3200xf32, #tpu.memory_space<vmem>> -> memref<1600xf32, #tpu.memory_space<vmem>>
    tpu.wait_dma2 semaphore(%arg8 : memref<!tpu.dma_semaphore, #tpu.memory_space<semaphore_mem>>) src(%dma_wait3A_486 : memref<1600xf32, #tpu.memory_space<vmem>>) dst(%dma_wait3A_485 : memref<1600xf32, #tpu.memory_space<hbm>>)
    %dma_wait3A_487 = tpu.memref_slice %arg6[%multiple_of3A_306] : memref<3200xf32, #tpu.memory_space<vmem>> -> memref<1600xf32, #tpu.memory_space<vmem>>
    %dma_wait3A_488 = tpu.memref_slice %arg4[%multiple_of3A_311] : memref<1638400xf32, #tpu.memory_space<hbm>> -> memref<1600xf32, #tpu.memory_space<hbm>>
    %dma_wait3A_489 = tpu.memref_slice %arg4[%multiple_of3A_311] : memref<1638400xf32, #tpu.memory_space<hbm>> -> memref<1600xf32, #tpu.memory_space<hbm>>
    %dma_wait3A_490 = tpu.memref_slice %arg6[%multiple_of3A_306] : memref<3200xf32, #tpu.memory_space<vmem>> -> memref<1600xf32, #tpu.memory_space<vmem>>
    tpu.wait_dma2 semaphore(%arg8 : memref<!tpu.dma_semaphore, #tpu.memory_space<semaphore_mem>>) src(%dma_wait3A_490 : memref<1600xf32, #tpu.memory_space<vmem>>) dst(%dma_wait3A_489 : memref<1600xf32, #tpu.memory_space<hbm>>)
    %dma_wait3A_491 = tpu.memref_slice %arg6[%multiple_of3A_318] : memref<3200xf32, #tpu.memory_space<vmem>> -> memref<1600xf32, #tpu.memory_space<vmem>>
    %dma_wait3A_492 = tpu.memref_slice %arg4[%multiple_of3A_323] : memref<1638400xf32, #tpu.memory_space<hbm>> -> memref<1600xf32, #tpu.memory_space<hbm>>
    %dma_wait3A_493 = tpu.memref_slice %arg4[%multiple_of3A_323] : memref<1638400xf32, #tpu.memory_space<hbm>> -> memref<1600xf32, #tpu.memory_space<hbm>>
    %dma_wait3A_494 = tpu.memref_slice %arg6[%multiple_of3A_318] : memref<3200xf32, #tpu.memory_space<vmem>> -> memref<1600xf32, #tpu.memory_space<vmem>>
    tpu.wait_dma2 semaphore(%arg8 : memref<!tpu.dma_semaphore, #tpu.memory_space<semaphore_mem>>) src(%dma_wait3A_494 : memref<1600xf32, #tpu.memory_space<vmem>>) dst(%dma_wait3A_493 : memref<1600xf32, #tpu.memory_space<hbm>>)
    %dma_wait3A_495 = tpu.memref_slice %arg6[%multiple_of3A_330] : memref<3200xf32, #tpu.memory_space<vmem>> -> memref<1600xf32, #tpu.memory_space<vmem>>
    %dma_wait3A_496 = tpu.memref_slice %arg4[%multiple_of3A_335] : memref<1638400xf32, #tpu.memory_space<hbm>> -> memref<1600xf32, #tpu.memory_space<hbm>>
    %dma_wait3A_497 = tpu.memref_slice %arg4[%multiple_of3A_335] : memref<1638400xf32, #tpu.memory_space<hbm>> -> memref<1600xf32, #tpu.memory_space<hbm>>
    %dma_wait3A_498 = tpu.memref_slice %arg6[%multiple_of3A_330] : memref<3200xf32, #tpu.memory_space<vmem>> -> memref<1600xf32, #tpu.memory_space<vmem>>
    tpu.wait_dma2 semaphore(%arg8 : memref<!tpu.dma_semaphore, #tpu.memory_space<semaphore_mem>>) src(%dma_wait3A_498 : memref<1600xf32, #tpu.memory_space<vmem>>) dst(%dma_wait3A_497 : memref<1600xf32, #tpu.memory_space<hbm>>)
    %dma_wait3A_499 = tpu.memref_slice %arg6[%multiple_of3A_342] : memref<3200xf32, #tpu.memory_space<vmem>> -> memref<1600xf32, #tpu.memory_space<vmem>>
    %dma_wait3A_500 = tpu.memref_slice %arg4[%multiple_of3A_347] : memref<1638400xf32, #tpu.memory_space<hbm>> -> memref<1600xf32, #tpu.memory_space<hbm>>
    %dma_wait3A_501 = tpu.memref_slice %arg4[%multiple_of3A_347] : memref<1638400xf32, #tpu.memory_space<hbm>> -> memref<1600xf32, #tpu.memory_space<hbm>>
    %dma_wait3A_502 = tpu.memref_slice %arg6[%multiple_of3A_342] : memref<3200xf32, #tpu.memory_space<vmem>> -> memref<1600xf32, #tpu.memory_space<vmem>>
    tpu.wait_dma2 semaphore(%arg8 : memref<!tpu.dma_semaphore, #tpu.memory_space<semaphore_mem>>) src(%dma_wait3A_502 : memref<1600xf32, #tpu.memory_space<vmem>>) dst(%dma_wait3A_501 : memref<1600xf32, #tpu.memory_space<hbm>>)
    %dma_wait3A_503 = tpu.memref_slice %arg6[%multiple_of3A_354] : memref<3200xf32, #tpu.memory_space<vmem>> -> memref<1600xf32, #tpu.memory_space<vmem>>
    %dma_wait3A_504 = tpu.memref_slice %arg4[%multiple_of3A_359] : memref<1638400xf32, #tpu.memory_space<hbm>> -> memref<1600xf32, #tpu.memory_space<hbm>>
    %dma_wait3A_505 = tpu.memref_slice %arg4[%multiple_of3A_359] : memref<1638400xf32, #tpu.memory_space<hbm>> -> memref<1600xf32, #tpu.memory_space<hbm>>
    %dma_wait3A_506 = tpu.memref_slice %arg6[%multiple_of3A_354] : memref<3200xf32, #tpu.memory_space<vmem>> -> memref<1600xf32, #tpu.memory_space<vmem>>
    tpu.wait_dma2 semaphore(%arg8 : memref<!tpu.dma_semaphore, #tpu.memory_space<semaphore_mem>>) src(%dma_wait3A_506 : memref<1600xf32, #tpu.memory_space<vmem>>) dst(%dma_wait3A_505 : memref<1600xf32, #tpu.memory_space<hbm>>)
    %dma_wait3A_507 = tpu.memref_slice %arg6[%multiple_of3A_366] : memref<3200xf32, #tpu.memory_space<vmem>> -> memref<1600xf32, #tpu.memory_space<vmem>>
    %dma_wait3A_508 = tpu.memref_slice %arg4[%multiple_of3A_371] : memref<1638400xf32, #tpu.memory_space<hbm>> -> memref<1600xf32, #tpu.memory_space<hbm>>
    %dma_wait3A_509 = tpu.memref_slice %arg4[%multiple_of3A_371] : memref<1638400xf32, #tpu.memory_space<hbm>> -> memref<1600xf32, #tpu.memory_space<hbm>>
    %dma_wait3A_510 = tpu.memref_slice %arg6[%multiple_of3A_366] : memref<3200xf32, #tpu.memory_space<vmem>> -> memref<1600xf32, #tpu.memory_space<vmem>>
    tpu.wait_dma2 semaphore(%arg8 : memref<!tpu.dma_semaphore, #tpu.memory_space<semaphore_mem>>) src(%dma_wait3A_510 : memref<1600xf32, #tpu.memory_space<vmem>>) dst(%dma_wait3A_509 : memref<1600xf32, #tpu.memory_space<hbm>>)
    %dma_wait3A_511 = tpu.memref_slice %arg6[%multiple_of3A_378] : memref<3200xf32, #tpu.memory_space<vmem>> -> memref<1600xf32, #tpu.memory_space<vmem>>
    %dma_wait3A_512 = tpu.memref_slice %arg4[%multiple_of3A_383] : memref<1638400xf32, #tpu.memory_space<hbm>> -> memref<1600xf32, #tpu.memory_space<hbm>>
    %dma_wait3A_513 = tpu.memref_slice %arg4[%multiple_of3A_383] : memref<1638400xf32, #tpu.memory_space<hbm>> -> memref<1600xf32, #tpu.memory_space<hbm>>
    %dma_wait3A_514 = tpu.memref_slice %arg6[%multiple_of3A_378] : memref<3200xf32, #tpu.memory_space<vmem>> -> memref<1600xf32, #tpu.memory_space<vmem>>
    tpu.wait_dma2 semaphore(%arg8 : memref<!tpu.dma_semaphore, #tpu.memory_space<semaphore_mem>>) src(%dma_wait3A_514 : memref<1600xf32, #tpu.memory_space<vmem>>) dst(%dma_wait3A_513 : memref<1600xf32, #tpu.memory_space<hbm>>)
    return
  }
}

module attributes {stable_mosaic.version = 14 : i64} {
  func.func @_prep_body(%arg0: memref<1024x50xi32, #tpu.memory_space<vmem>>, %arg1: memref<64x32xf32, #tpu.memory_space<vmem>>, %arg2: memref<1024x1xi32, #tpu.memory_space<vmem>>, %arg3: memref<100x32xf32, #tpu.memory_space<vmem>>) attributes {dimension_semantics = [], scalar_prefetch = 0 : i64, scratch_operands = 0 : i64, tpu.core_type = #tpu.core_type<tc>} {
    %get3A = arith.constant 0 : index
    %get3A_0 = arith.constant 0 : index
    %get3A_1 = vector.load %arg0[%get3A, %get3A_0] : memref<1024x50xi32, #tpu.memory_space<vmem>>, vector<1024x50xi32>
    %slice3A = vector.extract_strided_slice %get3A_1 {offsets = [0, 0], sizes = [1024, 1], strides = [1, 1]} : vector<1024x50xi32> to vector<1024x1xi32>
    %sub3A = vector.broadcast %slice3A : vector<1024x1xi32> to vector<1024x50xi32>
    %sub3A_2 = arith.subi %get3A_1, %sub3A : vector<1024x50xi32>
    %convert_element_type3A = arith.sitofp %sub3A_2 : vector<1024x50xi32> to vector<1024x50xf32>
    %reduce_max3A = vector.shape_cast %convert_element_type3A : vector<1024x50xf32> to vector<1x1024x50xf32>
    %reduce_max3A_3 = arith.constant dense<0xFF800000> : vector<1xf32>
    %reduce_max3A_4 = vector.multi_reduction <maximumf>, %reduce_max3A, %reduce_max3A_3 [1, 2] : vector<1x1024x50xf32> to vector<1xf32>
    %reduce_max3A_5 = vector.shape_cast %reduce_max3A_4 : vector<1xf32> to vector<1x1x1xf32>
    %reduce_max3A_6 = vector.extract %reduce_max3A_5[0, 0, 0] : f32 from vector<1x1x1xf32>
    %div3A = vector.broadcast %reduce_max3A_6 : f32 to vector<1024x50xf32>
    %div3A_7 = arith.divf %convert_element_type3A, %div3A : vector<1024x50xf32>
    %jit3A = arith.constant 0.000000e+00 : f32
    %jit3A_8 = arith.constant 6.300000e+01 : f32
    %max3A = vector.broadcast %jit3A : f32 to vector<1024x50xf32>
    %max3A_9 = arith.maximumf %max3A, %div3A_7 : vector<1024x50xf32>
    %min3A = vector.broadcast %jit3A_8 : f32 to vector<1024x50xf32>
    %min3A_10 = arith.minimumf %min3A, %max3A_9 : vector<1024x50xf32>
    %convert_element_type3A_11 = arith.fptosi %min3A_10 : vector<1024x50xf32> to vector<1024x50xi32>
    %eq3A = arith.constant 0 : i32
    %eq3A_12 = vector.broadcast %eq3A : i32 to vector<1024x50xi32>
    %eq3A_13 = arith.cmpi eq, %convert_element_type3A_11, %eq3A_12 : vector<1024x50xi32>
    %convert_element_type3A_14 = arith.extui %eq3A_13 : vector<1024x50xi1> to vector<1024x50xi32>
    %reduce_sum3A = arith.constant dense<0> : vector<1024xi32>
    %reduce_sum3A_15 = vector.multi_reduction <add>, %convert_element_type3A_14, %reduce_sum3A [1] : vector<1024x50xi32> to vector<1024xi32>
    %broadcast_in_dim3A = vector.shape_cast %reduce_sum3A_15 : vector<1024xi32> to vector<1024x1xi32>
    %sub3A_16 = arith.constant 50 : i32
    %sub3A_17 = vector.broadcast %sub3A_16 : i32 to vector<1024x1xi32>
    %sub3A_18 = arith.subi %sub3A_17, %broadcast_in_dim3A : vector<1024x1xi32>
    %mul3A = arith.constant 32 : i32
    %mul3A_19 = vector.broadcast %mul3A : i32 to vector<1024x1xi32>
    %mul3A_20 = arith.muli %sub3A_18, %mul3A_19 : vector<1024x1xi32>
    %swap3A = arith.constant 0 : index
    %swap3A_21 = arith.constant 0 : index
    %swap3A_22 = vector.load %arg2[%swap3A, %swap3A_21] : memref<1024x1xi32, #tpu.memory_space<vmem>>, vector<1024x1xi32>
    tpu.vector_store %arg2[%swap3A, %swap3A_21], %mul3A_20 {strides = array<i32>} : memref<1024x1xi32, #tpu.memory_space<vmem>>, vector<1024x1xi32>,
    %iota3A = tpu.iota {dimensions = array<i32: 1>} : vector<64x64xi32>
    %convert_element_type3A_23 = arith.sitofp %iota3A : vector<64x64xi32> to vector<64x64xf32>
    %iota3A_24 = tpu.iota {dimensions = array<i32: 0>} : vector<64x64xi32>
    %convert_element_type3A_25 = arith.sitofp %iota3A_24 : vector<64x64xi32> to vector<64x64xf32>
    %sub3A_26 = arith.subf %convert_element_type3A_23, %convert_element_type3A_25 : vector<64x64xf32>
    %mul3A_27 = arith.constant 0.314159274 : f32
    %mul3A_28 = vector.broadcast %mul3A_27 : f32 to vector<64x64xf32>
    %mul3A_29 = arith.mulf %mul3A_28, %sub3A_26 : vector<64x64xf32>
    %cos3A = math.cos %mul3A_29 : vector<64x64xf32>
    %integer_pow3A = arith.mulf %cos3A, %cos3A : vector<64x64xf32>
    %reduce_sum3A_30 = arith.constant dense<0.000000e+00> : vector<64xf32>
    %reduce_sum3A_31 = vector.multi_reduction <add>, %integer_pow3A, %reduce_sum3A_30 [1] : vector<64x64xf32> to vector<64xf32>
    %broadcast_in_dim3A_32 = vector.shape_cast %reduce_sum3A_31 : vector<64xf32> to vector<64x1xf32>
    %get3A_33 = arith.constant 0 : index
    %get3A_34 = arith.constant 0 : index
    %get3A_35 = vector.load %arg1[%get3A_33, %get3A_34] : memref<64x32xf32, #tpu.memory_space<vmem>>, vector<1x32xf32>
    %slice3A_36 = vector.extract_strided_slice %broadcast_in_dim3A_32 {offsets = [0, 0], sizes = [1, 1], strides = [1, 1]} : vector<64x1xf32> to vector<1x1xf32>
    %squeeze3A = vector.extract %slice3A_36[0, 0] : f32 from vector<1x1xf32>
    %mul3A_37 = vector.broadcast %squeeze3A : f32 to vector<1x32xf32>
    %mul3A_38 = arith.mulf %get3A_35, %mul3A_37 : vector<1x32xf32>
    %get3A_39 = arith.constant 1 : index
    %get3A_40 = arith.constant 0 : index
    %get3A_41 = vector.load %arg1[%get3A_39, %get3A_40] : memref<64x32xf32, #tpu.memory_space<vmem>>, vector<1x32xf32>
    %slice3A_42 = vector.extract_strided_slice %broadcast_in_dim3A_32 {offsets = [1, 0], sizes = [1, 1], strides = [1, 1]} : vector<64x1xf32> to vector<1x1xf32>
    %squeeze3A_43 = vector.extract %slice3A_42[0, 0] : f32 from vector<1x1xf32>
    %mul3A_44 = vector.broadcast %squeeze3A_43 : f32 to vector<1x32xf32>
    %mul3A_45 = arith.mulf %get3A_41, %mul3A_44 : vector<1x32xf32>
    %iota3A_46 = tpu.iota {dimensions = array<i32: 0>} : vector<100x1xi32>
    %lt3A = arith.constant 50 : i32
    %lt3A_47 = vector.broadcast %lt3A : i32 to vector<100x1xi32>
    %lt3A_48 = arith.cmpi slt, %iota3A_46, %lt3A_47 : vector<100x1xi32>
    %broadcast_in_dim3A_49 = vector.shape_cast %lt3A_48 : vector<100x1xi1> to vector<100x1xi1>
    %broadcast_in_dim3A_50 = vector.broadcast %broadcast_in_dim3A_49 : vector<100x1xi1> to vector<100x32xi1>
    %broadcast_in_dim3A_51 = vector.shape_cast %mul3A_38 : vector<1x32xf32> to vector<1x32xf32>
    %broadcast_in_dim3A_52 = vector.broadcast %broadcast_in_dim3A_51 : vector<1x32xf32> to vector<100x32xf32>
    %broadcast_in_dim3A_53 = vector.shape_cast %mul3A_45 : vector<1x32xf32> to vector<1x32xf32>
    %broadcast_in_dim3A_54 = vector.broadcast %broadcast_in_dim3A_53 : vector<1x32xf32> to vector<100x32xf32>
    %select_n3A = arith.select %broadcast_in_dim3A_50, %broadcast_in_dim3A_52, %broadcast_in_dim3A_54 : vector<100x32xi1>, vector<100x32xf32>
    %swap3A_55 = arith.constant 0 : index
    %swap3A_56 = arith.constant 0 : index
    %swap3A_57 = vector.load %arg3[%swap3A_55, %swap3A_56] : memref<100x32xf32, #tpu.memory_space<vmem>>, vector<100x32xf32>
    tpu.vector_store %arg3[%swap3A_55, %swap3A_56], %select_n3A {strides = array<i32>} : memref<100x32xf32, #tpu.memory_space<vmem>>, vector<100x32xf32>,
    return
  }
}

</mosaic_0001>

<sc_bundles>
// kernel: kernel.4.cloned.1.call-start
scs
__scs_entry_jumppad:
0x0: {  	(pc) =	sbr.rel $0x88, $3  }
0x1: {  	(tag) =	ssettag $0x0;
	lr =	simm.s32 $0x1  }
0x2: {  	[smem:$0x3F9F] =	sst lr;
	_ =	strace $0xD0000000  }
0x3: {  	_ = 	snop  }
0x4: {  	_ = 	snop  }
0x5: {  	_ = 	snop  }
0x6: {  	_ = 	snop  }
0x7: {  	_ = 	snop  }
__scs_overlays_trampoline_lowered:
0x8: {  	[smem:$0x3FAE] =	sst s0  }
0x9: {  	[smem:$0x3FAF] =	sst s1  }
0xa: {  	[smem:$0x3FB0] =	sst s2  }
0xb: {  	[smem:$0x3FB1] =	sst s3  }
0xc: {  	[smem:$0x3FB2] =	sst s4  }
0xd: {  	[smem:$0x3FB3] =	sst s5  }
0xe: {  	[smem:$0x3FB4] =	sst s6  }
0xf: {  	[smem:$0x3FB5] =	sst s7  }
0x10: {  	[smem:$0x3FB6] =	sst s8  }
0x11: {  	[smem:$0x3FB7] =	sst s9;
	s0 =	simm.s32 @!p0 $0x0  }
0x12: {  	s1 =	sld [smem:$0x3F9D];
	s0 =	simm.s32 @p0 $0x1  }
0x13: {  	[smem:$0x3FB8] =	sst s0;
	s0 =	simm.s32 @!p1 $0x0  }
0x14: {  	s2 =	sld [smem:$0x3F9C];
	s0 =	simm.s32 @p1 $0x1  }
0x15: {  	[smem:$0x3FB9] =	sst s0;
	s0 =	simm.s32 @!p2 $0x0  }
0x16: {  	s3 =	sld [smem:$0x3FDB];
	s0 =	simm.s32 @p2 $0x1  }
0x17: {  	s4 =	simm.s32 $0x1BF5;
	[smem:$0x3FBB] =	sst s0  }
0x18: {  	s0 =	sld [smem:$0x3F9E];
	_ =	swait.ge [sflag:s4], $0x0  }
0x19: {  	s7 =	sld [smem:$0x3F9F]  }
0x1a: {  	s8 =	sadd.s32 $0xFFFFE003, lr  }
0x1b: {  	s9 =	sadd.s32 $0xFFFFFEF7, lr;
	s5 =	simm.s32 $0xFFFFFFFF;
	p2 =	slt.u32 s8, $0xFFFFF086  }
0x1c: {  	p1 =	slt.u32 s9, $0xF7A;
	s5 =	simm.s32 @!p2 $0x0  }
0x1d: {  	s5 =	simm.s32 @p1 $0x1;
	p0 =	seq.s32 s7, s2  }
0x1e: {  	s7 =	smul.u32 @!p0 $0xF7A, s2;
	p2 =	seq.s32 @!p0 s5, $0x0  }
0x1f: {  	s9 =	smul.u32 $0xF7A, s1;
	s8 =	simm.s32 @!p0 $0x1BF5;
	p2 =	por !p2, p0  }
0x20: {  	[sflag:s8] =	ssyncset.s32 @!p0 $0xFFFFF086;
	s6 =	sadd.s32 @!p0 s3, s7;
	s7 =	simm.s32 @!p0 $0x108  }
0x21: {  	s3 =	sadd.s32 s3, s9;
	s6 =	sadd.s32 @!p0 $0x88, s6;
	s7 =	simm.s32 @p2 $0x1082  }
0x22: {  	[simem:s7], [sflag:s8] =	dma.local @!p0 [hbm:s6], $0xF7A  }
0x23: {  	s9 =	sor.u32 $0xD0000000, s2;
	s6 =	simm.s32 $0x108;
	_ =	swait.ge @!p0 [sflag:s8], $0x0  }
0x24: {  	s3 =	sadd.s32 $0x88, s3;
	s6 =	simm.s32 @!p1 $0x1082;
	[sflag:s4] =	ssyncset.s32 $0xFFFFF086  }
0x25: {  	[simem:s6], [sflag:s4] =	dma.local [hbm:s3], $0xF7A  }
0x26: {  	[smem:$0x3F9F] =	sst s1;
	(tag) =	ssettag s2;
	_ =	strace s9  }
0x27: {  	s1 =	sld [smem:$0x3FAF]  }
0x28: {  	s2 =	sld [smem:$0x3FB0]  }
0x29: {  	s4 =	sld [smem:$0x3FB2]  }
0x2a: {  	p0 =	seq.s32 s5, $0x0;
	s5 =	sld [smem:$0x3FB3]  }
0x2b: {  	s6 =	sld [smem:$0x3FB4]  }
0x2c: {  	s7 =	sld [smem:$0x3FB5]  }
0x2d: {  	s3 =	simm.s32 $0x108;
	s8 =	sld [smem:$0x3FB6]  }
0x2e: {  	s3 =	simm.s32 @!p0 $0x1082;
	s9 =	sld [smem:$0x3FB7]  }
0x2f: {  	lr =	sadd.s32 s0, s3;
	s0 =	sld [smem:$0x3FAE]  }
0x30: {  	s3 =	sld [smem:$0x3FB1]  }
0x31: {  	[smem:$0x3FBA] =	sst s10  }
0x32: {  	s10 =	sld [smem:$0x3FB8];
	_ =	sdelay $0x3  }
0x33: {  	p0 =	seq.s32 s10, $0x1;
	s10 =	sld [smem:$0x3FBA];
	_ =	sdelay $0x3  }
0x34: {  	[smem:$0x3FBA] =	sst s10  }
0x35: {  	s10 =	sld [smem:$0x3FB9];
	_ =	sdelay $0x3  }
0x36: {  	p1 =	seq.s32 s10, $0x1;
	s10 =	sld [smem:$0x3FBA];
	_ =	sdelay $0x3  }
0x37: {  	[smem:$0x3FBA] =	sst s10  }
0x38: {  	s10 =	sld [smem:$0x3FBB]  }
0x39: {  	_ = 	snop;
	(pc) =	sbr.ind lr, $3  }
0x3a: {  	_ = 	snop  }
0x3b: {  	_ = 	snop  }
0x3c: {  	p2 =	seq.s32 s10, $0x1;
	s10 =	sld [smem:$0x3FBA]  }
0x3d: {  	_ =	shalt  }
0x3e: {  	_ =	shalt  }
0x3f: {  	_ =	shalt  }
0x40: {  	_ =	shalt  }
0x41: {  	_ =	shalt  }
0x42: {  	_ =	shalt  }
0x43: {  	_ =	shalt  }
0x44: {  	_ =	shalt  }
0x45: {  	_ =	shalt  }
0x46: {  	_ =	shalt  }
0x47: {  	_ =	shalt  }
0x48: {  	_ =	shalt  }
0x49: {  	_ =	shalt  }
0x4a: {  	_ =	shalt  }
0x4b: {  	_ =	shalt  }
0x4c: {  	_ =	shalt  }
0x4d: {  	_ =	shalt  }
0x4e: {  	_ =	shalt  }
0x4f: {  	_ =	shalt  }
0x50: {  	_ =	shalt  }
0x51: {  	_ =	shalt  }
0x52: {  	_ =	shalt  }
0x53: {  	_ =	shalt  }
0x54: {  	_ =	shalt  }
0x55: {  	_ =	shalt  }
0x56: {  	_ =	shalt  }
0x57: {  	_ =	shalt  }
0x58: {  	_ =	shalt  }
0x59: {  	_ =	shalt  }
0x5a: {  	_ =	shalt  }
0x5b: {  	_ =	shalt  }
0x5c: {  	_ =	shalt  }
0x5d: {  	_ =	shalt  }
0x5e: {  	_ =	shalt  }
0x5f: {  	_ =	shalt  }
0x60: {  	_ =	shalt  }
0x61: {  	_ =	shalt  }
0x62: {  	_ =	shalt  }
0x63: {  	_ =	shalt  }
0x64: {  	_ =	shalt  }
0x65: {  	_ =	shalt  }
0x66: {  	_ =	shalt  }
0x67: {  	_ =	shalt  }
0x68: {  	_ =	shalt  }
0x69: {  	_ =	shalt  }
0x6a: {  	_ =	shalt  }
0x6b: {  	_ =	shalt  }
0x6c: {  	_ =	shalt  }
0x6d: {  	_ =	shalt  }
0x6e: {  	_ =	shalt  }
0x6f: {  	_ =	shalt  }
0x70: {  	_ =	shalt  }
0x71: {  	_ =	shalt  }
0x72: {  	_ =	shalt  }
0x73: {  	_ =	shalt  }
0x74: {  	_ =	shalt  }
0x75: {  	_ =	shalt  }
0x76: {  	_ =	shalt  }
0x77: {  	_ =	shalt  }
0x78: {  	_ =	shalt  }
0x79: {  	_ =	shalt  }
0x7a: {  	_ =	shalt  }
0x7b: {  	_ =	shalt  }
0x7c: {  	_ =	shalt  }
0x7d: {  	_ =	shalt  }
0x7e: {  	_ =	shalt  }
0x7f: {  	_ =	shalt  }
0x80: {  	_ =	shalt  }
0x81: {  	_ =	shalt  }
0x82: {  	_ =	shalt  }
0x83: {  	_ =	shalt  }
0x84: {  	_ =	shalt  }
0x85: {  	_ =	shalt  }
0x86: {  	_ =	shalt  }
0x87: {  	_ =	shalt  }
.Lfunc_end0:
.L_simem_size_0:
called_computation_lowered:
.L_overlay_start_0:
0x88: {  	s2 =	sld [smem:$0x3FD9]  }
0x89: {  	s3 =	sld [smem:$0x3FFE];
	_ =	sdelay $0x1  }
0x8a: {  	s1 =	srdreg.scid  }
0x8b: {  	s0 =	sand.u32 $0x1, s1  }
0x8c: {  	s17 =	sshll.u32 s0, $0xA;
	s2 =	sadd.s32 s3, s2  }
0x8d: {  	s2 =	sadd.s32 s2, s17  }
0x8e: {  	[smem:$0x3FC6] =	sst s2  }
0x8f: {  	_ = 	snop  }
0x90: {  	s2 =	sld [smem:$0x3FD0];
	(tm) =	ssettm $0x1  }
0x91: {  	s18 =	sld [smem:$0x3FFB];
	_ =	sdelay $0x3  }
0x92: {  	_ =	strace s18  }
0x93: {  	s3 =	sld [smem:$0x3FFC];
	_ =	sdelay $0x3  }
0x94: {  	_ =	strace s3  }
0x95: {  	s3 =	sld [smem:$0x3FFD];
	_ =	sdelay $0x3  }
0x96: {  	_ =	strace s3  }
0x97: {  	_ =	strace $0x8FFFFFFF  }
0x98: {  	s19 =	sld [smem:$0x3FDB];
	_ =	sdelay $0x1  }
0x99: {  	s4 =	simm.s32 $_scs_section_size  }
0x9a: {  	s5 =	simm.s32 $_size__tile_overlayer_lowered;
	s6 =	simm.s32 $_tile_overlayer_lowered  }
0x9b: {  	s22 =	simm.s32 $0x1BFF;
	s21 =	sshll.u32 s6, $0x1;
	s3 =	sadd.s32 s4, s19  }
0x9c: {  	s7 =	simm.s32 $0x0;
	s20 =	sshll.u32 s5, $0x1;
	s5 =	sadd.s32 s21, s3  }
0x9d: {  	[timem:s7], [sflag:s22] =	dma.local [hbm:s5], s20  }
0x9e: {  	_ =	swait.ge [sflag:s22], s20  }
0x9f: {  	s4 =	ssub.s32 $0x0, s20;
	[sflag:s22] =	ssyncset.done $0x0  }
0xa0: {  	[sflag:s22] =	ssyncadd.s32 s4;
	_ =	sdelay $0x1  }
0xa1: {  	s23 =	simm.s32 $0x1B8B  }
0xa2: {  	_ =	swait.ge [sflag:s23], $0x1  }
0xa3: {  	[sflag:s23] =	ssyncset.done $0x0  }
0xa4: {  	s25 =	simm.s32 $0x1B8E;
	s24 =	sld [smem:$0x3FFE];
	[sflag:s23] =	ssyncadd.s32 $0xFFFFFFFF  }
0xa5: {  	s26 =	simm.s32 $execute0_lowered;
	[smem:$0x3FD2] =	sst s25  }
0xa6: {  	s5 =	sshll.u32 s26, $0x1;
	_ =	strace $0x80000046;
	[dreg:$0x1] =	wrdreg $0xFFFFFFFF  }
0xa7: {  	s28 =	simm.s32 $_size_execute0_lowered;
	s3 =	sadd.s32 s3, s5;
	[dreg:$0x0] =	wrdreg $0x0  }
0xa8: {  	s5 =	sshll.u32 s28, $0x1;
	[dreg:$0x2] =	wrdreg s3  }
0xa9: {  	[dreg:$0x3] =	wrdreg s5  }
0xaa: {  	[dreg:$0x4] =	wrdreg $0xC0  }
0xab: {  	_ =	task [dreg:s7], $0x5FFFF  }
0xac: {  	[dreg:$0x1] =	wrdreg $0xFFFFFFFF  }
0xad: {  	[dreg:$0x0] =	wrdreg $0x60  }
0xae: {  	[dreg:$0x2] =	wrdreg s24  }
0xaf: {  	[dreg:$0x3] =	wrdreg s2  }
0xb0: {  	[dreg:$0x4] =	wrdreg $0x9  }
0xb1: {  	_ =	task.clear_ibuf [dreg:s7], $0x5FFFF;
	_ =	strace $0x90000046  }
0xb2: {  	s29 =	simm.s32 $0x9;
	_ =	strace $0x80000048  }
0xb3: {  	_ =	swait.ge [sflag:s29], $0x1  }
0xb4: {  	[sflag:s29] =	ssyncadd.s32 $0xFFFFFFFF  }
0xb5: {  	_ =	strace $0x90000048  }
0xb6: {  	_ =	sfence  }
0xb7: {  	s30 =	sld [smem:$0x0];
	_ =	sdelay $0x2  }
0xb8: {  	s31 =	sshll.u32 s1, $0xD;
	s1 =	sshrl.u32 s1, $0x2  }
0xb9: {  	s3 =	sand.u32 $0x4000, s31;
	s1 =	sadd.s32 s1, s30  }
0xba: {  	s0 =	sor.u32 s3, s0;
	s1 =	sshll.u32 s1, $0x11  }
0xbb: {  	s0 =	sor.u32 s1, s0  }
0xbc: {  	s0 =	sadd.s32 $0x8F2B, s0  }
0xbd: {  	[sflag:s0] =	ssyncadd.remote.s32 $0x1  }
0xbe: {  	_ =	sfence.sel $0xFFFF  }
0xbf: {  	[dreg:$0x0] =	wrdreg $0xFFFFFFFF;
	(pc) =	sbr.abs _section_cstart, $3  }
0xc0: {  	[dreg:$0x1] =	wrdreg $0xFFFFFFFF  }
0xc1: {  	_ =	task.clear_ibuf [dreg:s7], $0x2FFFF;
	_ =	strace $0x9FFFFFFF  }
0xc2: {  	(tm) =	ssettm $0x7FFFFFFF  }
0xc3: {  	_ =	shalt  }
tec
execute0_lowered:
.L_overlay_start_1:
0x0: {  	(tag) =	ssettag $0x1  }
0x1: {  	s4 =	rddreg [dreg:$0x0]  }
0x2: {  	s5 =	rddreg [dreg:$0x1]  }
0x3: {  	s0 =	rddreg [dreg:$0x2]  }
0x4: {  	s2 =	srdreg.scid;
	s1 =	stileid.u32  }
0x5: {  	s3 =	simm.s32 $0x0;
	s2 =	sand.u32 $0x1, s2;
	s6 =	sshll.u32 s1, $0x1  }
0x6: {  	[smem:$0x7FF] =	sst s3;
	s6 =	sor.u32 s2, s6  }
0x7: {  	_ =	strace $0x80000047;
	s7 =	sshll.u32 s6, $0x2;
	s8 =	smul.u32 $0xC800, s6  }
0x8: {  	s6 =	smul.u32 $0x1900, s6;
	s7 =	sadd.s32 s7, s4;
	s4 =	sadd.s32 $0x200, s4  }
0x9: {  	[dreg:$0x3] =	wrdreg s4;
	s23 =	sadd.s32 $0x400, s7;
	s24 =	sshrl.u32 s8, $0x3  }
0xa: {  	s6 =	sadd.s32 s5, s6;
	[dreg:$0x4] =	wrdreg s23;
	s4 =	sadd.s32 s5, s24  }
0xb: {  	[dreg:$0x5] =	wrdreg s6;
	s5 =	sadd.s32 $0xC8, s4  }
0xc: {  	s25 =	sadd.s32 $0x190, s4;
	[dreg:$0x6] =	wrdreg s5  }
0xd: {  	s26 =	sadd.s32 $0x258, s4;
	[dreg:$0x7] =	wrdreg s25  }
0xe: {  	s28 =	sadd.s32 $0x320, s4;
	[dreg:$0x8] =	wrdreg s26  }
0xf: {  	s29 =	sadd.s32 $0x3E8, s4;
	[dreg:$0x9] =	wrdreg s28  }
0x10: {  	s30 =	sadd.s32 $0x4B0, s4;
	[dreg:$0xa] =	wrdreg s29  }
0x11: {  	s31 =	sadd.s32 $0x578, s4;
	[dreg:$0xb] =	wrdreg s30  }
0x12: {  	s6 =	sadd.s32 $0x640, s4;
	[dreg:$0xc] =	wrdreg s31  }
0x13: {  	s7 =	sadd.s32 $0x708, s4;
	[dreg:$0xd] =	wrdreg s6  }
0x14: {  	s8 =	sadd.s32 $0x7D0, s4;
	[dreg:$0xe] =	wrdreg s7  }
0x15: {  	s9 =	sadd.s32 $0x898, s4;
	[dreg:$0xf] =	wrdreg s8  }
0x16: {  	s10 =	sadd.s32 $0x960, s4;
	[dreg:$0x10] =	wrdreg s9  }
0x17: {  	s11 =	sadd.s32 $0xA28, s4;
	[dreg:$0x11] =	wrdreg s10  }
0x18: {  	s12 =	sadd.s32 $0xAF0, s4;
	[dreg:$0x12] =	wrdreg s11  }
0x19: {  	s13 =	sadd.s32 $0xBB8, s4;
	[dreg:$0x13] =	wrdreg s12  }
0x1a: {  	s14 =	sadd.s32 $0xC80, s4;
	[dreg:$0x14] =	wrdreg s13  }
0x1b: {  	s15 =	sadd.s32 $0xD48, s4;
	[dreg:$0x15] =	wrdreg s14  }
0x1c: {  	s16 =	sadd.s32 $0xE10, s4;
	[dreg:$0x16] =	wrdreg s15  }
0x1d: {  	s17 =	sadd.s32 $0xED8, s4;
	[dreg:$0x17] =	wrdreg s16  }
0x1e: {  	s18 =	sadd.s32 $0xFA0, s4;
	[dreg:$0x18] =	wrdreg s17  }
0x1f: {  	s19 =	sadd.s32 $0x1068, s4;
	[dreg:$0x19] =	wrdreg s18  }
0x20: {  	s20 =	sadd.s32 $0x1130, s4;
	[dreg:$0x1a] =	wrdreg s19  }
0x21: {  	s21 =	sadd.s32 $0x11F8, s4;
	[dreg:$0x1b] =	wrdreg s20  }
0x22: {  	s22 =	sadd.s32 $0x12C0, s4;
	[dreg:$0x1c] =	wrdreg s21  }
0x23: {  	s23 =	sadd.s32 $0x1388, s4;
	[dreg:$0x1d] =	wrdreg s22  }
0x24: {  	s2 =	ssub.s32 $0x2, s2;
	s24 =	sadd.s32 $0x1450, s4;
	[dreg:$0x1e] =	wrdreg s23  }
0x25: {  	[dreg:$0x1f] =	wrdreg s24;
	s30 =	sshrl.u32 s2, $0x1  }
0x26: {  	s25 =	sadd.s32 $0x1518, s4;
	s7 =	rddreg [dreg:$0x3];
	s2 =	ssub.s32 s2, s30  }
0x27: {  	s26 =	sadd.s32 $0x15E0, s4;
	[smem:$0x7F8] =	sst s25;
	s6 =	smax.u32 s2, $0x1  }
0x28: {  	s28 =	sadd.s32 $0x16A8, s4;
	[smem:$0x7F9] =	sst s26;
	p1 =	sne.s32 s6, $0x1  }
.Ltmp0:
0x29: {  	s29 =	sadd.s32 $0x1770, s4;
	[smem:$0x7FA] =	sst s28;
	(pc) =	sbr.rel @!p1 .LBB2_3-.Ltmp0, $4  }
0x2a: {  	s4 =	sadd.s32 $0x1838, s4;
	[smem:$0x7FB] =	sst s29  }
0x2b: {  	s31 =	simm.s32 $0x20;
	[smem:$0x7FC] =	sst s4  }
0x2c: {  	p0 =	por $0x0, $0x0;
	s5 =	simm.s32 $0x3;
	[smem:$0x7FD] =	sst s31  }
0x2d: {  	s4 =	simm.s32 $0x1;
	s2 =	simm.s32 $0x2;
	s6 =	sadd.s32 $0xFFFFFFFF, s6  }
0x2e: {  	s8 =	sld [smem:$0x7FD];
	_ =	sdelay $0x2  }
0x2f: {  	[tilespmem:s8], [sflag:$0x1] =	stream.linear.gather [hbm4b:s7+s3], $0xC80, $0x38;
	[tilespmem:$0xCA0] =	vst v63  }
0x30: {  	s9 =	rddreg [dreg:$0x4]  }
0x31: {  	[tilespmem:s3], [sflag:$0x3] =	stream.linear.gather [hbm4b:s9+s3], $0x20, $0x38;
	[tilespmem:$0xCA0] =	vst v63  }
0x32: {  	_ =	swait.ge [sflag:s5], $0x20  }
0x33: {  	[sflag:s5] =	ssyncset.done $0x0  }
0x34: {  	[sflag:s5] =	ssyncadd.s32 $0xFFFFFFE0  }
0x35: {  	_ =	swait.ge [sflag:s4], $0xC80  }
0x36: {  	[sflag:s4] =	ssyncset.done $0x0  }
0x37: {  	[sflag:s4] =	ssyncadd.s32 $0xFFFFF380  }
0x38: {  	v0 =	vld [tilespmem:$0x0];
	_ =	sdelay $0x4  }
0x39: {  	v0 =	vadd.s32 $0x20, v0  }
0x3a: {  	(v2sf) =	vpush v0, $0x0;
	_ =	sdelay $0x1  }
0x3b: {  	(v2sf) =	vpush v0, $0x1;
	_ =	sdelay $0x1  }
0x3c: {  	(v2sf) =	vpush v0, $0x2;
	_ =	sdelay $0x1  }
0x3d: {  	(v2sf) =	vpush v0, $0x3;
	_ =	sdelay $0x1  }
0x3e: {  	(v2sf) =	vpush v0, $0x4;
	_ =	sdelay $0x1  }
0x3f: {  	(v2sf) =	vpush v0, $0x5;
	_ =	sdelay $0x1  }
0x40: {  	(v2sf) =	vpush v0, $0x6;
	_ =	sdelay $0x1  }
0x41: {  	s9 =	rddreg [dreg:$0x5];
	(v2sf) =	vpush v0, $0x7  }
0x42: {  	s10 =	rddreg [dreg:$0x6];
	s11 =	spop (v2sf)  }
0x43: {  	v1 =	vld [tilespmem:$0x10];
	(v2sf) =	vpush v0, $0x8;
	[hbm4b:s9+s3] =	stream.linear.scatter [tilespmem:s11], [sflag:$0x2], $0x640, $0x38  }
0x44: {  	s12 =	rddreg [dreg:$0x7];
	s13 =	spop (v2sf)  }
0x45: {  	(v2sf) =	vpush v0, $0x9;
	[hbm4b:s10+s3] =	stream.linear.scatter [tilespmem:s13], [sflag:$0x2], $0x640, $0x38;
	[tilespmem:$0xCA0] =	vst v63  }
0x46: {  	s14 =	rddreg [dreg:$0x8];
	s15 =	spop (v2sf)  }
0x47: {  	(v2sf) =	vpush v0, $0xA;
	[hbm4b:s12+s3] =	stream.linear.scatter [tilespmem:s15], [sflag:$0x2], $0x640, $0x38;
	[tilespmem:$0xCA0] =	vst v63  }
0x48: {  	s16 =	rddreg [dreg:$0x9];
	s17 =	spop (v2sf)  }
0x49: {  	(v2sf) =	vpush v0, $0xB;
	[hbm4b:s14+s3] =	stream.linear.scatter [tilespmem:s17], [sflag:$0x2], $0x640, $0x38;
	[tilespmem:$0xCA0] =	vst v63  }
0x4a: {  	s18 =	rddreg [dreg:$0xa];
	s19 =	spop (v2sf)  }
0x4b: {  	(v2sf) =	vpush v0, $0xC;
	[hbm4b:s16+s3] =	stream.linear.scatter [tilespmem:s19], [sflag:$0x2], $0x640, $0x38;
	[tilespmem:$0xCA0] =	vst v63  }
0x4c: {  	s20 =	rddreg [dreg:$0xb];
	s21 =	spop (v2sf)  }
0x4d: {  	(v2sf) =	vpush v0, $0xD;
	[hbm4b:s18+s3] =	stream.linear.scatter [tilespmem:s21], [sflag:$0x2], $0x640, $0x38;
	[tilespmem:$0xCA0] =	vst v63  }
0x4e: {  	s22 =	rddreg [dreg:$0xc];
	s23 =	spop (v2sf)  }
0x4f: {  	(v2sf) =	vpush v0, $0xE;
	[hbm4b:s20+s3] =	stream.linear.scatter [tilespmem:s23], [sflag:$0x2], $0x640, $0x38;
	[tilespmem:$0xCA0] =	vst v63  }
0x50: {  	s24 =	rddreg [dreg:$0xd];
	s25 =	spop (v2sf)  }
0x51: {  	(v2sf) =	vpush v0, $0xF;
	[hbm4b:s22+s3] =	stream.linear.scatter [tilespmem:s25], [sflag:$0x2], $0x640, $0x38;
	[tilespmem:$0xCA0] =	vst v63  }
0x52: {  	s26 =	rddreg [dreg:$0xe];
	v63 =	vadd.s32 $0x20, v1;
	s28 =	spop (v2sf)  }
0x53: {  	(v2sf) =	vpush v63, $0x0;
	[hbm4b:s24+s3] =	stream.linear.scatter [tilespmem:s28], [sflag:$0x2], $0x640, $0x38;
	[tilespmem:$0xCA0] =	vst v63  }
0x54: {  	s29 =	rddreg [dreg:$0xf];
	s30 =	spop (v2sf)  }
0x55: {  	(v2sf) =	vpush v63, $0x1;
	[hbm4b:s26+s3] =	stream.linear.scatter [tilespmem:s30], [sflag:$0x2], $0x640, $0x38;
	[tilespmem:$0xCA0] =	vst v63  }
0x56: {  	s31 =	rddreg [dreg:$0x10];
	s10 =	spop (v2sf)  }
0x57: {  	(v2sf) =	vpush v63, $0x2;
	[hbm4b:s29+s3] =	stream.linear.scatter [tilespmem:s10], [sflag:$0x2], $0x640, $0x38;
	[tilespmem:$0xCA0] =	vst v63  }
0x58: {  	s11 =	rddreg [dreg:$0x11];
	s12 =	spop (v2sf)  }
0x59: {  	(v2sf) =	vpush v63, $0x3;
	[hbm4b:s31+s3] =	stream.linear.scatter [tilespmem:s12], [sflag:$0x2], $0x640, $0x38;
	[tilespmem:$0xCA0] =	vst v63  }
0x5a: {  	s13 =	rddreg [dreg:$0x12];
	s14 =	spop (v2sf)  }
0x5b: {  	(v2sf) =	vpush v63, $0x4;
	[hbm4b:s11+s3] =	stream.linear.scatter [tilespmem:s14], [sflag:$0x2], $0x640, $0x38;
	[tilespmem:$0xCA0] =	vst v63  }
0x5c: {  	s15 =	rddreg [dreg:$0x13];
	s16 =	spop (v2sf)  }
0x5d: {  	(v2sf) =	vpush v63, $0x5;
	[hbm4b:s13+s3] =	stream.linear.scatter [tilespmem:s16], [sflag:$0x2], $0x640, $0x38;
	[tilespmem:$0xCA0] =	vst v63  }
0x5e: {  	s17 =	rddreg [dreg:$0x14];
	s18 =	spop (v2sf)  }
0x5f: {  	(v2sf) =	vpush v63, $0x6;
	[hbm4b:s15+s3] =	stream.linear.scatter [tilespmem:s18], [sflag:$0x2], $0x640, $0x38;
	[tilespmem:$0xCA0] =	vst v63  }
0x60: {  	s19 =	rddreg [dreg:$0x15];
	s20 =	spop (v2sf)  }
0x61: {  	(v2sf) =	vpush v63, $0x7;
	[hbm4b:s17+s3] =	stream.linear.scatter [tilespmem:s20], [sflag:$0x2], $0x640, $0x38;
	[tilespmem:$0xCA0] =	vst v63  }
0x62: {  	s21 =	rddreg [dreg:$0x16];
	s22 =	spop (v2sf)  }
0x63: {  	(v2sf) =	vpush v63, $0x8;
	[hbm4b:s19+s3] =	stream.linear.scatter [tilespmem:s22], [sflag:$0x2], $0x640, $0x38;
	[tilespmem:$0xCA0] =	vst v63  }
0x64: {  	s23 =	rddreg [dreg:$0x17];
	s24 =	spop (v2sf)  }
0x65: {  	(v2sf) =	vpush v63, $0x9;
	[hbm4b:s21+s3] =	stream.linear.scatter [tilespmem:s24], [sflag:$0x2], $0x640, $0x38;
	[tilespmem:$0xCA0] =	vst v63  }
0x66: {  	s25 =	rddreg [dreg:$0x18];
	s26 =	spop (v2sf)  }
0x67: {  	(v2sf) =	vpush v63, $0xA;
	[hbm4b:s23+s3] =	stream.linear.scatter [tilespmem:s26], [sflag:$0x2], $0x640, $0x38;
	[tilespmem:$0xCA0] =	vst v63  }
0x68: {  	s28 =	rddreg [dreg:$0x19];
	s29 =	spop (v2sf)  }
0x69: {  	(v2sf) =	vpush v63, $0xB;
	[hbm4b:s25+s3] =	stream.linear.scatter [tilespmem:s29], [sflag:$0x2], $0x640, $0x38;
	[tilespmem:$0xCA0] =	vst v63  }
0x6a: {  	s30 =	rddreg [dreg:$0x1a];
	s31 =	spop (v2sf)  }
0x6b: {  	(v2sf) =	vpush v63, $0xC;
	[hbm4b:s28+s3] =	stream.linear.scatter [tilespmem:s31], [sflag:$0x2], $0x640, $0x38;
	[tilespmem:$0xCA0] =	vst v63  }
0x6c: {  	s10 =	rddreg [dreg:$0x1b];
	s11 =	spop (v2sf)  }
0x6d: {  	(v2sf) =	vpush v63, $0xD;
	[hbm4b:s30+s3] =	stream.linear.scatter [tilespmem:s11], [sflag:$0x2], $0x640, $0x38;
	[tilespmem:$0xCA0] =	vst v63  }
0x6e: {  	s12 =	rddreg [dreg:$0x1c];
	s13 =	spop (v2sf)  }
0x6f: {  	(v2sf) =	vpush v63, $0xE;
	[hbm4b:s10+s3] =	stream.linear.scatter [tilespmem:s13], [sflag:$0x2], $0x640, $0x38;
	[tilespmem:$0xCA0] =	vst v63  }
0x70: {  	s14 =	rddreg [dreg:$0x1d];
	s15 =	spop (v2sf)  }
0x71: {  	(v2sf) =	vpush v63, $0xF;
	[hbm4b:s12+s3] =	stream.linear.scatter [tilespmem:s15], [sflag:$0x2], $0x640, $0x38;
	[tilespmem:$0xCA0] =	vst v63  }
0x72: {  	s16 =	rddreg [dreg:$0x1e];
	s17 =	spop (v2sf)  }
0x73: {  	[hbm4b:s14+s3] =	stream.linear.scatter [tilespmem:s17], [sflag:$0x2], $0x640, $0x38;
	[tilespmem:$0xCA0] =	vst v63  }
0x74: {  	s18 =	rddreg [dreg:$0x1f];
	s19 =	spop (v2sf)  }
0x75: {  	[hbm4b:s16+s3] =	stream.linear.scatter [tilespmem:s19], [sflag:$0x2], $0x640, $0x38;
	[tilespmem:$0xCA0] =	vst v63  }
0x76: {  	s20 =	sld [smem:$0x7F8];
	s21 =	spop (v2sf)  }
0x77: {  	[hbm4b:s18+s3] =	stream.linear.scatter [tilespmem:s21], [sflag:$0x2], $0x640, $0x38;
	[tilespmem:$0xCA0] =	vst v63  }
0x78: {  	s22 =	sld [smem:$0x7F9];
	s23 =	spop (v2sf)  }
0x79: {  	[hbm4b:s20+s3] =	stream.linear.scatter [tilespmem:s23], [sflag:$0x2], $0x640, $0x38;
	[tilespmem:$0xCA0] =	vst v63  }
0x7a: {  	s24 =	sld [smem:$0x7FA];
	s25 =	spop (v2sf)  }
0x7b: {  	[hbm4b:s22+s3] =	stream.linear.scatter [tilespmem:s25], [sflag:$0x2], $0x640, $0x38;
	[tilespmem:$0xCA0] =	vst v63  }
0x7c: {  	s26 =	sld [smem:$0x7FB];
	s28 =	spop (v2sf)  }
0x7d: {  	[hbm4b:s24+s3] =	stream.linear.scatter [tilespmem:s28], [sflag:$0x2], $0x640, $0x38;
	[tilespmem:$0xCA0] =	vst v63  }
0x7e: {  	s29 =	sld [smem:$0x7FC];
	s30 =	spop (v2sf)  }
0x7f: {  	[hbm4b:s26+s3] =	stream.linear.scatter [tilespmem:s30], [sflag:$0x2], $0x640, $0x38;
	[tilespmem:$0xCA0] =	vst v63  }
0x80: {  	s31 =	spop (v2sf)  }
0x81: {  	[hbm4b:s29+s3] =	stream.linear.scatter [tilespmem:s31], [sflag:$0x2], $0x640, $0x38;
	[tilespmem:$0xCA0] =	vst v63  }
0x82: {  	_ =	swait.ge [sflag:s2], $0x640  }
0x83: {  	[sflag:s2] =	ssyncset.done $0x0  }
0x84: {  	[sflag:s2] =	ssyncadd.s32 $0xFFFFF9C0  }
0x85: {  	_ =	swait.ge [sflag:s2], $0x640  }
0x86: {  	[sflag:s2] =	ssyncset.done $0x0  }
0x87: {  	[sflag:s2] =	ssyncadd.s32 $0xFFFFF9C0  }
0x88: {  	_ =	swait.ge [sflag:s2], $0x640  }
0x89: {  	[sflag:s2] =	ssyncset.done $0x0  }
0x8a: {  	[sflag:s2] =	ssyncadd.s32 $0xFFFFF9C0  }
0x8b: {  	_ =	swait.ge [sflag:s2], $0x640  }
0x8c: {  	[sflag:s2] =	ssyncset.done $0x0  }
0x8d: {  	[sflag:s2] =	ssyncadd.s32 $0xFFFFF9C0  }
0x8e: {  	_ =	swait.ge [sflag:s2], $0x640  }
0x8f: {  	[sflag:s2] =	ssyncset.done $0x0  }
0x90: {  	[sflag:s2] =	ssyncadd.s32 $0xFFFFF9C0  }
0x91: {  	_ =	swait.ge [sflag:s2], $0x640  }
0x92: {  	[sflag:s2] =	ssyncset.done $0x0  }
0x93: {  	[sflag:s2] =	ssyncadd.s32 $0xFFFFF9C0  }
0x94: {  	_ =	swait.ge [sflag:s2], $0x640  }
0x95: {  	[sflag:s2] =	ssyncset.done $0x0  }
0x96: {  	[sflag:s2] =	ssyncadd.s32 $0xFFFFF9C0  }
0x97: {  	_ =	swait.ge [sflag:s2], $0x640  }
0x98: {  	[sflag:s2] =	ssyncset.done $0x0  }
0x99: {  	[sflag:s2] =	ssyncadd.s32 $0xFFFFF9C0  }
0x9a: {  	_ =	swait.ge [sflag:s2], $0x640  }
0x9b: {  	[sflag:s2] =	ssyncset.done $0x0  }
0x9c: {  	[sflag:s2] =	ssyncadd.s32 $0xFFFFF9C0  }
0x9d: {  	_ =	swait.ge [sflag:s2], $0x640  }
0x9e: {  	[sflag:s2] =	ssyncset.done $0x0  }
0x9f: {  	[sflag:s2] =	ssyncadd.s32 $0xFFFFF9C0  }
0xa0: {  	_ =	swait.ge [sflag:s2], $0x640  }
0xa1: {  	[sflag:s2] =	ssyncset.done $0x0  }
0xa2: {  	[sflag:s2] =	ssyncadd.s32 $0xFFFFF9C0  }
0xa3: {  	_ =	swait.ge [sflag:s2], $0x640  }
0xa4: {  	[sflag:s2] =	ssyncset.done $0x0  }
0xa5: {  	[sflag:s2] =	ssyncadd.s32 $0xFFFFF9C0  }
0xa6: {  	_ =	swait.ge [sflag:s2], $0x640  }
0xa7: {  	[sflag:s2] =	ssyncset.done $0x0  }
0xa8: {  	[sflag:s2] =	ssyncadd.s32 $0xFFFFF9C0  }
0xa9: {  	_ =	swait.ge [sflag:s2], $0x640  }
0xaa: {  	[sflag:s2] =	ssyncset.done $0x0  }
0xab: {  	[sflag:s2] =	ssyncadd.s32 $0xFFFFF9C0  }
0xac: {  	_ =	swait.ge [sflag:s2], $0x640  }
0xad: {  	[sflag:s2] =	ssyncset.done $0x0  }
0xae: {  	[sflag:s2] =	ssyncadd.s32 $0xFFFFF9C0  }
0xaf: {  	_ =	swait.ge [sflag:s2], $0x640  }
0xb0: {  	[sflag:s2] =	ssyncset.done $0x0  }
0xb1: {  	[sflag:s2] =	ssyncadd.s32 $0xFFFFF9C0  }
0xb2: {  	_ =	swait.ge [sflag:s2], $0x640  }
0xb3: {  	[sflag:s2] =	ssyncset.done $0x0  }
0xb4: {  	[sflag:s2] =	ssyncadd.s32 $0xFFFFF9C0  }
0xb5: {  	_ =	swait.ge [sflag:s2], $0x640  }
0xb6: {  	[sflag:s2] =	ssyncset.done $0x0  }
0xb7: {  	[sflag:s2] =	ssyncadd.s32 $0xFFFFF9C0  }
0xb8: {  	_ =	swait.ge [sflag:s2], $0x640  }
0xb9: {  	[sflag:s2] =	ssyncset.done $0x0  }
0xba: {  	[sflag:s2] =	ssyncadd.s32 $0xFFFFF9C0  }
0xbb: {  	_ =	swait.ge [sflag:s2], $0x640  }
0xbc: {  	[sflag:s2] =	ssyncset.done $0x0  }
0xbd: {  	[sflag:s2] =	ssyncadd.s32 $0xFFFFF9C0  }
0xbe: {  	_ =	swait.ge [sflag:s2], $0x640  }
0xbf: {  	[sflag:s2] =	ssyncset.done $0x0  }
0xc0: {  	[sflag:s2] =	ssyncadd.s32 $0xFFFFF9C0  }
0xc1: {  	_ =	swait.ge [sflag:s2], $0x640  }
0xc2: {  	[sflag:s2] =	ssyncset.done $0x0  }
0xc3: {  	[sflag:s2] =	ssyncadd.s32 $0xFFFFF9C0  }
0xc4: {  	_ =	swait.ge [sflag:s2], $0x640  }
0xc5: {  	[sflag:s2] =	ssyncset.done $0x0  }
0xc6: {  	[sflag:s2] =	ssyncadd.s32 $0xFFFFF9C0  }
0xc7: {  	_ =	swait.ge [sflag:s2], $0x640  }
0xc8: {  	[sflag:s2] =	ssyncset.done $0x0  }
0xc9: {  	[sflag:s2] =	ssyncadd.s32 $0xFFFFF9C0  }
0xca: {  	_ =	swait.ge [sflag:s2], $0x640  }
0xcb: {  	[sflag:s2] =	ssyncset.done $0x0  }
0xcc: {  	[sflag:s2] =	ssyncadd.s32 $0xFFFFF9C0  }
0xcd: {  	_ =	swait.ge [sflag:s2], $0x640  }
0xce: {  	[sflag:s2] =	ssyncset.done $0x0  }
0xcf: {  	[sflag:s2] =	ssyncadd.s32 $0xFFFFF9C0  }
0xd0: {  	_ =	swait.ge [sflag:s2], $0x640  }
0xd1: {  	[sflag:s2] =	ssyncset.done $0x0  }
0xd2: {  	[sflag:s2] =	ssyncadd.s32 $0xFFFFF9C0  }
0xd3: {  	_ =	swait.ge [sflag:s2], $0x640  }
0xd4: {  	[sflag:s2] =	ssyncset.done $0x0  }
0xd5: {  	[sflag:s2] =	ssyncadd.s32 $0xFFFFF9C0  }
0xd6: {  	_ =	swait.ge [sflag:s2], $0x640  }
0xd7: {  	[sflag:s2] =	ssyncset.done $0x0  }
0xd8: {  	[sflag:s2] =	ssyncadd.s32 $0xFFFFF9C0  }
0xd9: {  	_ =	swait.ge [sflag:s2], $0x640  }
0xda: {  	[sflag:s2] =	ssyncset.done $0x0  }
0xdb: {  	p1 =	sne.s32 s6, $0x1;
	[sflag:s2] =	ssyncadd.s32 $0xFFFFF9C0  }
.Ltmp1:
0xdc: {  	_ =	swait.ge [sflag:s2], $0x640;
	(pc) =	sbr.rel @!p1 .LBB2_3-.Ltmp1, $4  }
0xdd: {  	[sflag:s2] =	ssyncset.done $0x0  }
0xde: {  	[sflag:s2] =	ssyncadd.s32 $0xFFFFF9C0  }
0xdf: {  	s6 =	sadd.s32 $0xFFFFFFFF, s6;
	_ =	swait.ge [sflag:s2], $0x640  }
0xe0: {  	p0 =	por $0x1, $0x1;
	s7 =	rddreg [dreg:$0x3];
	[sflag:s2] =	ssyncset.done $0x0  }
.LBB2_2:
0xe1: {  	s8 =	sld [smem:$0x7FD];
	_ =	sdelay $0x1  }
0xe2: {  	[sflag:s2] =	ssyncadd.s32 $0xFFFFF9C0  }
0xe3: {  	[tilespmem:s8], [sflag:$0x1] =	stream.linear.gather [hbm4b:s7+s3], $0xC80, $0x38;
	[tilespmem:$0xCA0] =	vst v63  }
0xe4: {  	s9 =	rddreg [dreg:$0x4]  }
0xe5: {  	[tilespmem:s3], [sflag:$0x3] =	stream.linear.gather [hbm4b:s9+s3], $0x20, $0x38;
	[tilespmem:$0xCA0] =	vst v63  }
0xe6: {  	_ =	swait.ge [sflag:s5], $0x20  }
0xe7: {  	[sflag:s5] =	ssyncset.done $0x0  }
0xe8: {  	[sflag:s5] =	ssyncadd.s32 $0xFFFFFFE0  }
0xe9: {  	_ =	swait.ge [sflag:s4], $0xC80  }
0xea: {  	[sflag:s4] =	ssyncset.done $0x0  }
0xeb: {  	[sflag:s4] =	ssyncadd.s32 $0xFFFFF380  }
0xec: {  	v0 =	vld [tilespmem:$0x0];
	_ =	sdelay $0x4  }
0xed: {  	v0 =	vadd.s32 $0x20, v0  }
0xee: {  	(v2sf) =	vpush v0, $0x0;
	_ =	sdelay $0x1  }
0xef: {  	(v2sf) =	vpush v0, $0x1;
	_ =	sdelay $0x1  }
0xf0: {  	(v2sf) =	vpush v0, $0x2;
	_ =	sdelay $0x1  }
0xf1: {  	(v2sf) =	vpush v0, $0x3;
	_ =	sdelay $0x1  }
0xf2: {  	(v2sf) =	vpush v0, $0x4;
	_ =	sdelay $0x1  }
0xf3: {  	(v2sf) =	vpush v0, $0x5;
	_ =	sdelay $0x1  }
0xf4: {  	(v2sf) =	vpush v0, $0x6;
	_ =	sdelay $0x1  }
0xf5: {  	s9 =	rddreg [dreg:$0x5];
	(v2sf) =	vpush v0, $0x7  }
0xf6: {  	s10 =	rddreg [dreg:$0x6];
	s11 =	spop (v2sf)  }
0xf7: {  	v1 =	vld [tilespmem:$0x10];
	(v2sf) =	vpush v0, $0x8;
	[hbm4b:s9+s3] =	stream.linear.scatter [tilespmem:s11], [sflag:$0x2], $0x640, $0x38  }
0xf8: {  	s12 =	rddreg [dreg:$0x7];
	s13 =	spop (v2sf)  }
0xf9: {  	(v2sf) =	vpush v0, $0x9;
	[hbm4b:s10+s3] =	stream.linear.scatter [tilespmem:s13], [sflag:$0x2], $0x640, $0x38;
	[tilespmem:$0xCA0] =	vst v63  }
0xfa: {  	s14 =	rddreg [dreg:$0x8];
	s15 =	spop (v2sf)  }
0xfb: {  	(v2sf) =	vpush v0, $0xA;
	[hbm4b:s12+s3] =	stream.linear.scatter [tilespmem:s15], [sflag:$0x2], $0x640, $0x38;
	[tilespmem:$0xCA0] =	vst v63  }
0xfc: {  	s16 =	rddreg [dreg:$0x9];
	s17 =	spop (v2sf)  }
0xfd: {  	(v2sf) =	vpush v0, $0xB;
	[hbm4b:s14+s3] =	stream.linear.scatter [tilespmem:s17], [sflag:$0x2], $0x640, $0x38;
	[tilespmem:$0xCA0] =	vst v63  }
0xfe: {  	s18 =	rddreg [dreg:$0xa];
	s19 =	spop (v2sf)  }
0xff: {  	(v2sf) =	vpush v0, $0xC;
	[hbm4b:s16+s3] =	stream.linear.scatter [tilespmem:s19], [sflag:$0x2], $0x640, $0x38;
	[tilespmem:$0xCA0] =	vst v63  }
0x100: {  	s20 =	rddreg [dreg:$0xb];
	s21 =	spop (v2sf)  }
0x101: {  	(v2sf) =	vpush v0, $0xD;
	[hbm4b:s18+s3] =	stream.linear.scatter [tilespmem:s21], [sflag:$0x2], $0x640, $0x38;
	[tilespmem:$0xCA0] =	vst v63  }
0x102: {  	s22 =	rddreg [dreg:$0xc];
	s23 =	spop (v2sf)  }
0x103: {  	(v2sf) =	vpush v0, $0xE;
	[hbm4b:s20+s3] =	stream.linear.scatter [tilespmem:s23], [sflag:$0x2], $0x640, $0x38;
	[tilespmem:$0xCA0] =	vst v63  }
0x104: {  	s24 =	rddreg [dreg:$0xd];
	s25 =	spop (v2sf)  }
0x105: {  	(v2sf) =	vpush v0, $0xF;
	[hbm4b:s22+s3] =	stream.linear.scatter [tilespmem:s25], [sflag:$0x2], $0x640, $0x38;
	[tilespmem:$0xCA0] =	vst v63  }
0x106: {  	s26 =	rddreg [dreg:$0xe];
	v1 =	vadd.s32 $0x20, v1;
	s28 =	spop (v2sf)  }
0x107: {  	(v2sf) =	vpush v1, $0x0;
	[hbm4b:s24+s3] =	stream.linear.scatter [tilespmem:s28], [sflag:$0x2], $0x640, $0x38;
	[tilespmem:$0xCA0] =	vst v63  }
0x108: {  	s29 =	rddreg [dreg:$0xf];
	s30 =	spop (v2sf)  }
0x109: {  	(v2sf) =	vpush v1, $0x1;
	[hbm4b:s26+s3] =	stream.linear.scatter [tilespmem:s30], [sflag:$0x2], $0x640, $0x38;
	[tilespmem:$0xCA0] =	vst v63  }
0x10a: {  	s31 =	rddreg [dreg:$0x10];
	s10 =	spop (v2sf)  }
0x10b: {  	(v2sf) =	vpush v1, $0x2;
	[hbm4b:s29+s3] =	stream.linear.scatter [tilespmem:s10], [sflag:$0x2], $0x640, $0x38;
	[tilespmem:$0xCA0] =	vst v63  }
0x10c: {  	s11 =	rddreg [dreg:$0x11];
	s12 =	spop (v2sf)  }
0x10d: {  	(v2sf) =	vpush v1, $0x3;
	[hbm4b:s31+s3] =	stream.linear.scatter [tilespmem:s12], [sflag:$0x2], $0x640, $0x38;
	[tilespmem:$0xCA0] =	vst v63  }
0x10e: {  	s13 =	rddreg [dreg:$0x12];
	s14 =	spop (v2sf)  }
0x10f: {  	(v2sf) =	vpush v1, $0x4;
	[hbm4b:s11+s3] =	stream.linear.scatter [tilespmem:s14], [sflag:$0x2], $0x640, $0x38;
	[tilespmem:$0xCA0] =	vst v63  }
0x110: {  	s15 =	rddreg [dreg:$0x13];
	s16 =	spop (v2sf)  }
0x111: {  	(v2sf) =	vpush v1, $0x5;
	[hbm4b:s13+s3] =	stream.linear.scatter [tilespmem:s16], [sflag:$0x2], $0x640, $0x38;
	[tilespmem:$0xCA0] =	vst v63  }
0x112: {  	s17 =	rddreg [dreg:$0x14];
	s18 =	spop (v2sf)  }
0x113: {  	(v2sf) =	vpush v1, $0x6;
	[hbm4b:s15+s3] =	stream.linear.scatter [tilespmem:s18], [sflag:$0x2], $0x640, $0x38;
	[tilespmem:$0xCA0] =	vst v63  }
0x114: {  	s19 =	rddreg [dreg:$0x15];
	s20 =	spop (v2sf)  }
0x115: {  	(v2sf) =	vpush v1, $0x7;
	[hbm4b:s17+s3] =	stream.linear.scatter [tilespmem:s20], [sflag:$0x2], $0x640, $0x38;
	[tilespmem:$0xCA0] =	vst v63  }
0x116: {  	s21 =	rddreg [dreg:$0x16];
	s22 =	spop (v2sf)  }
0x117: {  	(v2sf) =	vpush v1, $0x8;
	[hbm4b:s19+s3] =	stream.linear.scatter [tilespmem:s22], [sflag:$0x2], $0x640, $0x38;
	[tilespmem:$0xCA0] =	vst v63  }
0x118: {  	s23 =	rddreg [dreg:$0x17];
	s24 =	spop (v2sf)  }
0x119: {  	(v2sf) =	vpush v1, $0x9;
	[hbm4b:s21+s3] =	stream.linear.scatter [tilespmem:s24], [sflag:$0x2], $0x640, $0x38;
	[tilespmem:$0xCA0] =	vst v63  }
0x11a: {  	s25 =	rddreg [dreg:$0x18];
	s26 =	spop (v2sf)  }
0x11b: {  	(v2sf) =	vpush v1, $0xA;
	[hbm4b:s23+s3] =	stream.linear.scatter [tilespmem:s26], [sflag:$0x2], $0x640, $0x38;
	[tilespmem:$0xCA0] =	vst v63  }
0x11c: {  	s28 =	rddreg [dreg:$0x19];
	s29 =	spop (v2sf)  }
0x11d: {  	(v2sf) =	vpush v1, $0xB;
	[hbm4b:s25+s3] =	stream.linear.scatter [tilespmem:s29], [sflag:$0x2], $0x640, $0x38;
	[tilespmem:$0xCA0] =	vst v63  }
0x11e: {  	s30 =	rddreg [dreg:$0x1a];
	s31 =	spop (v2sf)  }
0x11f: {  	(v2sf) =	vpush v1, $0xC;
	[hbm4b:s28+s3] =	stream.linear.scatter [tilespmem:s31], [sflag:$0x2], $0x640, $0x38;
	[tilespmem:$0xCA0] =	vst v63  }
0x120: {  	s10 =	rddreg [dreg:$0x1b];
	s11 =	spop (v2sf)  }
0x121: {  	(v2sf) =	vpush v1, $0xD;
	[hbm4b:s30+s3] =	stream.linear.scatter [tilespmem:s11], [sflag:$0x2], $0x640, $0x38;
	[tilespmem:$0xCA0] =	vst v63  }
0x122: {  	s12 =	rddreg [dreg:$0x1c];
	s13 =	spop (v2sf)  }
0x123: {  	(v2sf) =	vpush v1, $0xE;
	[hbm4b:s10+s3] =	stream.linear.scatter [tilespmem:s13], [sflag:$0x2], $0x640, $0x38;
	[tilespmem:$0xCA0] =	vst v63  }
0x124: {  	s14 =	rddreg [dreg:$0x1d];
	s15 =	spop (v2sf)  }
0x125: {  	(v2sf) =	vpush v1, $0xF;
	[hbm4b:s12+s3] =	stream.linear.scatter [tilespmem:s15], [sflag:$0x2], $0x640, $0x38;
	[tilespmem:$0xCA0] =	vst v63  }
0x126: {  	s16 =	rddreg [dreg:$0x1e];
	s17 =	spop (v2sf)  }
0x127: {  	[hbm4b:s14+s3] =	stream.linear.scatter [tilespmem:s17], [sflag:$0x2], $0x640, $0x38;
	[tilespmem:$0xCA0] =	vst v63  }
0x128: {  	s18 =	rddreg [dreg:$0x1f];
	s19 =	spop (v2sf)  }
0x129: {  	[hbm4b:s16+s3] =	stream.linear.scatter [tilespmem:s19], [sflag:$0x2], $0x640, $0x38;
	[tilespmem:$0xCA0] =	vst v63  }
0x12a: {  	s20 =	sld [smem:$0x7F8];
	s21 =	spop (v2sf)  }
0x12b: {  	[hbm4b:s18+s3] =	stream.linear.scatter [tilespmem:s21], [sflag:$0x2], $0x640, $0x38;
	[tilespmem:$0xCA0] =	vst v63  }
0x12c: {  	s22 =	sld [smem:$0x7F9];
	s23 =	spop (v2sf)  }
0x12d: {  	[hbm4b:s20+s3] =	stream.linear.scatter [tilespmem:s23], [sflag:$0x2], $0x640, $0x38;
	[tilespmem:$0xCA0] =	vst v63  }
0x12e: {  	s24 =	sld [smem:$0x7FA];
	s25 =	spop (v2sf)  }
0x12f: {  	[hbm4b:s22+s3] =	stream.linear.scatter [tilespmem:s25], [sflag:$0x2], $0x640, $0x38;
	[tilespmem:$0xCA0] =	vst v63  }
0x130: {  	s26 =	sld [smem:$0x7FB];
	s28 =	spop (v2sf)  }
0x131: {  	[hbm4b:s24+s3] =	stream.linear.scatter [tilespmem:s28], [sflag:$0x2], $0x640, $0x38;
	[tilespmem:$0xCA0] =	vst v63  }
0x132: {  	s29 =	sld [smem:$0x7FC];
	s30 =	spop (v2sf)  }
0x133: {  	[hbm4b:s26+s3] =	stream.linear.scatter [tilespmem:s30], [sflag:$0x2], $0x640, $0x38;
	[tilespmem:$0xCA0] =	vst v63  }
0x134: {  	s31 =	spop (v2sf)  }
0x135: {  	[hbm4b:s29+s3] =	stream.linear.scatter [tilespmem:s31], [sflag:$0x2], $0x640, $0x38;
	[tilespmem:$0xCA0] =	vst v63  }
0x136: {  	_ =	swait.ge [sflag:s2], $0x640  }
0x137: {  	[sflag:s2] =	ssyncset.done $0x0  }
0x138: {  	[sflag:s2] =	ssyncadd.s32 $0xFFFFF9C0  }
0x139: {  	_ =	swait.ge [sflag:s2], $0x640  }
0x13a: {  	[sflag:s2] =	ssyncset.done $0x0  }
0x13b: {  	[sflag:s2] =	ssyncadd.s32 $0xFFFFF9C0  }
0x13c: {  	_ =	swait.ge [sflag:s2], $0x640  }
0x13d: {  	[sflag:s2] =	ssyncset.done $0x0  }
0x13e: {  	[sflag:s2] =	ssyncadd.s32 $0xFFFFF9C0  }
0x13f: {  	_ =	swait.ge [sflag:s2], $0x640  }
0x140: {  	[sflag:s2] =	ssyncset.done $0x0  }
0x141: {  	[sflag:s2] =	ssyncadd.s32 $0xFFFFF9C0  }
0x142: {  	_ =	swait.ge [sflag:s2], $0x640  }
0x143: {  	[sflag:s2] =	ssyncset.done $0x0  }
0x144: {  	[sflag:s2] =	ssyncadd.s32 $0xFFFFF9C0  }
0x145: {  	_ =	swait.ge [sflag:s2], $0x640  }
0x146: {  	[sflag:s2] =	ssyncset.done $0x0  }
0x147: {  	[sflag:s2] =	ssyncadd.s32 $0xFFFFF9C0  }
0x148: {  	_ =	swait.ge [sflag:s2], $0x640  }
0x149: {  	[sflag:s2] =	ssyncset.done $0x0  }
0x14a: {  	[sflag:s2] =	ssyncadd.s32 $0xFFFFF9C0  }
0x14b: {  	_ =	swait.ge [sflag:s2], $0x640  }
0x14c: {  	[sflag:s2] =	ssyncset.done $0x0  }
0x14d: {  	[sflag:s2] =	ssyncadd.s32 $0xFFFFF9C0  }
0x14e: {  	_ =	swait.ge [sflag:s2], $0x640  }
0x14f: {  	[sflag:s2] =	ssyncset.done $0x0  }
0x150: {  	[sflag:s2] =	ssyncadd.s32 $0xFFFFF9C0  }
0x151: {  	_ =	swait.ge [sflag:s2], $0x640  }
0x152: {  	[sflag:s2] =	ssyncset.done $0x0  }
0x153: {  	[sflag:s2] =	ssyncadd.s32 $0xFFFFF9C0  }
0x154: {  	_ =	swait.ge [sflag:s2], $0x640  }
0x155: {  	[sflag:s2] =	ssyncset.done $0x0  }
0x156: {  	[sflag:s2] =	ssyncadd.s32 $0xFFFFF9C0  }
0x157: {  	_ =	swait.ge [sflag:s2], $0x640  }
0x158: {  	[sflag:s2] =	ssyncset.done $0x0  }
0x159: {  	[sflag:s2] =	ssyncadd.s32 $0xFFFFF9C0  }
0x15a: {  	_ =	swait.ge [sflag:s2], $0x640  }
0x15b: {  	[sflag:s2] =	ssyncset.done $0x0  }
0x15c: {  	[sflag:s2] =	ssyncadd.s32 $0xFFFFF9C0  }
0x15d: {  	_ =	swait.ge [sflag:s2], $0x640  }
0x15e: {  	[sflag:s2] =	ssyncset.done $0x0  }
0x15f: {  	[sflag:s2] =	ssyncadd.s32 $0xFFFFF9C0  }
0x160: {  	_ =	swait.ge [sflag:s2], $0x640  }
0x161: {  	[sflag:s2] =	ssyncset.done $0x0  }
0x162: {  	[sflag:s2] =	ssyncadd.s32 $0xFFFFF9C0  }
0x163: {  	_ =	swait.ge [sflag:s2], $0x640  }
0x164: {  	[sflag:s2] =	ssyncset.done $0x0  }
0x165: {  	[sflag:s2] =	ssyncadd.s32 $0xFFFFF9C0  }
0x166: {  	_ =	swait.ge [sflag:s2], $0x640  }
0x167: {  	[sflag:s2] =	ssyncset.done $0x0  }
0x168: {  	[sflag:s2] =	ssyncadd.s32 $0xFFFFF9C0  }
0x169: {  	_ =	swait.ge [sflag:s2], $0x640  }
0x16a: {  	[sflag:s2] =	ssyncset.done $0x0  }
0x16b: {  	[sflag:s2] =	ssyncadd.s32 $0xFFFFF9C0  }
0x16c: {  	_ =	swait.ge [sflag:s2], $0x640  }
0x16d: {  	[sflag:s2] =	ssyncset.done $0x0  }
0x16e: {  	[sflag:s2] =	ssyncadd.s32 $0xFFFFF9C0  }
0x16f: {  	_ =	swait.ge [sflag:s2], $0x640  }
0x170: {  	[sflag:s2] =	ssyncset.done $0x0  }
0x171: {  	[sflag:s2] =	ssyncadd.s32 $0xFFFFF9C0  }
0x172: {  	_ =	swait.ge [sflag:s2], $0x640  }
0x173: {  	[sflag:s2] =	ssyncset.done $0x0  }
0x174: {  	[sflag:s2] =	ssyncadd.s32 $0xFFFFF9C0  }
0x175: {  	_ =	swait.ge [sflag:s2], $0x640  }
0x176: {  	[sflag:s2] =	ssyncset.done $0x0  }
0x177: {  	[sflag:s2] =	ssyncadd.s32 $0xFFFFF9C0  }
0x178: {  	_ =	swait.ge [sflag:s2], $0x640  }
0x179: {  	[sflag:s2] =	ssyncset.done $0x0  }
0x17a: {  	[sflag:s2] =	ssyncadd.s32 $0xFFFFF9C0  }
0x17b: {  	_ =	swait.ge [sflag:s2], $0x640  }
0x17c: {  	[sflag:s2] =	ssyncset.done $0x0  }
0x17d: {  	[sflag:s2] =	ssyncadd.s32 $0xFFFFF9C0  }
0x17e: {  	_ =	swait.ge [sflag:s2], $0x640  }
0x17f: {  	[sflag:s2] =	ssyncset.done $0x0  }
0x180: {  	[sflag:s2] =	ssyncadd.s32 $0xFFFFF9C0  }
0x181: {  	_ =	swait.ge [sflag:s2], $0x640  }
0x182: {  	[sflag:s2] =	ssyncset.done $0x0  }
0x183: {  	[sflag:s2] =	ssyncadd.s32 $0xFFFFF9C0  }
0x184: {  	_ =	swait.ge [sflag:s2], $0x640  }
0x185: {  	[sflag:s2] =	ssyncset.done $0x0  }
0x186: {  	[sflag:s2] =	ssyncadd.s32 $0xFFFFF9C0  }
0x187: {  	_ =	swait.ge [sflag:s2], $0x640  }
0x188: {  	[sflag:s2] =	ssyncset.done $0x0  }
0x189: {  	[sflag:s2] =	ssyncadd.s32 $0xFFFFF9C0  }
0x18a: {  	_ =	swait.ge [sflag:s2], $0x640  }
0x18b: {  	[sflag:s2] =	ssyncset.done $0x0  }
0x18c: {  	[sflag:s2] =	ssyncadd.s32 $0xFFFFF9C0  }
0x18d: {  	_ =	swait.ge [sflag:s2], $0x640  }
0x18e: {  	[sflag:s2] =	ssyncset.done $0x0  }
0x18f: {  	p1 =	sne.s32 s6, $0x1;
	[sflag:s2] =	ssyncadd.s32 $0xFFFFF9C0  }
.Ltmp2:
0x190: {  	_ =	swait.ge [sflag:s2], $0x640;
	(pc) =	sbr.rel @p1 .LBB2_2-.Ltmp2, $4  }
0x191: {  	[sflag:s2] =	ssyncset.done $0x0  }
0x192: {  	[sflag:s2] =	ssyncadd.s32 $0xFFFFF9C0  }
0x193: {  	_ =	swait.ge [sflag:s2], $0x640  }
0x194: {  	s6 =	sadd.s32 $0xFFFFFFFF, s6;
	s7 =	rddreg [dreg:$0x3];
	[sflag:s2] =	ssyncset.done $0x0  }
.LBB2_3:
0x195: {  	s6 =	sld [smem:$0x7FD];
	_ =	sdelay $0x1  }
0x196: {  	[sflag:s2] =	ssyncadd.s32 @p0 $0xFFFFF9C0  }
0x197: {  	[tilespmem:s6], [sflag:$0x1] =	stream.linear.gather [hbm4b:s7+s3], $0xC80, $0x38;
	[tilespmem:$0xCA0] =	vst v63  }
0x198: {  	s8 =	rddreg [dreg:$0x4]  }
0x199: {  	[tilespmem:s3], [sflag:$0x3] =	stream.linear.gather [hbm4b:s8+s3], $0x20, $0x38;
	[tilespmem:$0xCA0] =	vst v63  }
0x19a: {  	_ =	swait.ge [sflag:s5], $0x20  }
0x19b: {  	[sflag:s5] =	ssyncset.done $0x0  }
0x19c: {  	[sflag:s5] =	ssyncadd.s32 $0xFFFFFFE0  }
0x19d: {  	_ =	swait.ge [sflag:s4], $0xC80  }
0x19e: {  	[sflag:s4] =	ssyncset.done $0x0  }
0x19f: {  	[sflag:s4] =	ssyncadd.s32 $0xFFFFF380  }
0x1a0: {  	v0 =	vld [tilespmem:$0x0];
	_ =	sdelay $0x4  }
0x1a1: {  	v0 =	vadd.s32 $0x20, v0  }
0x1a2: {  	(v2sf) =	vpush v0, $0x0;
	_ =	sdelay $0x1  }
0x1a3: {  	(v2sf) =	vpush v0, $0x1;
	_ =	sdelay $0x1  }
0x1a4: {  	(v2sf) =	vpush v0, $0x2;
	_ =	sdelay $0x1  }
0x1a5: {  	(v2sf) =	vpush v0, $0x3;
	_ =	sdelay $0x1  }
0x1a6: {  	(v2sf) =	vpush v0, $0x4;
	_ =	sdelay $0x1  }
0x1a7: {  	(v2sf) =	vpush v0, $0x5;
	_ =	sdelay $0x1  }
0x1a8: {  	(v2sf) =	vpush v0, $0x6;
	_ =	sdelay $0x1  }
0x1a9: {  	s15 =	rddreg [dreg:$0x5];
	(v2sf) =	vpush v0, $0x7  }
0x1aa: {  	s16 =	rddreg [dreg:$0x6];
	s17 =	spop (v2sf)  }
0x1ab: {  	v1 =	vld [tilespmem:$0x10];
	(v2sf) =	vpush v0, $0x8;
	[hbm4b:s15+s3] =	stream.linear.scatter [tilespmem:s17], [sflag:$0x2], $0x640, $0x38  }
0x1ac: {  	s18 =	rddreg [dreg:$0x7];
	s19 =	spop (v2sf)  }
0x1ad: {  	(v2sf) =	vpush v0, $0x9;
	[hbm4b:s16+s3] =	stream.linear.scatter [tilespmem:s19], [sflag:$0x2], $0x640, $0x38;
	[tilespmem:$0xCA0] =	vst v63  }
0x1ae: {  	s20 =	rddreg [dreg:$0x8];
	s21 =	spop (v2sf)  }
0x1af: {  	(v2sf) =	vpush v0, $0xA;
	[hbm4b:s18+s3] =	stream.linear.scatter [tilespmem:s21], [sflag:$0x2], $0x640, $0x38;
	[tilespmem:$0xCA0] =	vst v63  }
0x1b0: {  	s22 =	rddreg [dreg:$0x9];
	s23 =	spop (v2sf)  }
0x1b1: {  	(v2sf) =	vpush v0, $0xB;
	[hbm4b:s20+s3] =	stream.linear.scatter [tilespmem:s23], [sflag:$0x2], $0x640, $0x38;
	[tilespmem:$0xCA0] =	vst v63  }
0x1b2: {  	s24 =	rddreg [dreg:$0xa];
	s25 =	spop (v2sf)  }
0x1b3: {  	(v2sf) =	vpush v0, $0xC;
	[hbm4b:s22+s3] =	stream.linear.scatter [tilespmem:s25], [sflag:$0x2], $0x640, $0x38;
	[tilespmem:$0xCA0] =	vst v63  }
0x1b4: {  	s26 =	rddreg [dreg:$0xb];
	s28 =	spop (v2sf)  }
0x1b5: {  	(v2sf) =	vpush v0, $0xD;
	[hbm4b:s24+s3] =	stream.linear.scatter [tilespmem:s28], [sflag:$0x2], $0x640, $0x38;
	[tilespmem:$0xCA0] =	vst v63  }
0x1b6: {  	s29 =	rddreg [dreg:$0xc];
	s30 =	spop (v2sf)  }
0x1b7: {  	(v2sf) =	vpush v0, $0xE;
	[hbm4b:s26+s3] =	stream.linear.scatter [tilespmem:s30], [sflag:$0x2], $0x640, $0x38;
	[tilespmem:$0xCA0] =	vst v63  }
0x1b8: {  	s31 =	rddreg [dreg:$0xd];
	s7 =	spop (v2sf)  }
0x1b9: {  	(v2sf) =	vpush v0, $0xF;
	[hbm4b:s29+s3] =	stream.linear.scatter [tilespmem:s7], [sflag:$0x2], $0x640, $0x38;
	[tilespmem:$0xCA0] =	vst v63  }
0x1ba: {  	s8 =	rddreg [dreg:$0xe];
	v63 =	vadd.s32 $0x20, v1;
	s9 =	spop (v2sf)  }
0x1bb: {  	(v2sf) =	vpush v63, $0x0;
	[hbm4b:s31+s3] =	stream.linear.scatter [tilespmem:s9], [sflag:$0x2], $0x640, $0x38;
	[tilespmem:$0xCA0] =	vst v63  }
0x1bc: {  	s10 =	rddreg [dreg:$0xf];
	s11 =	spop (v2sf)  }
0x1bd: {  	(v2sf) =	vpush v63, $0x1;
	[hbm4b:s8+s3] =	stream.linear.scatter [tilespmem:s11], [sflag:$0x2], $0x640, $0x38;
	[tilespmem:$0xCA0] =	vst v63  }
0x1be: {  	s12 =	rddreg [dreg:$0x10];
	s13 =	spop (v2sf)  }
0x1bf: {  	(v2sf) =	vpush v63, $0x2;
	[hbm4b:s10+s3] =	stream.linear.scatter [tilespmem:s13], [sflag:$0x2], $0x640, $0x38;
	[tilespmem:$0xCA0] =	vst v63  }
0x1c0: {  	s14 =	rddreg [dreg:$0x11];
	s15 =	spop (v2sf)  }
0x1c1: {  	(v2sf) =	vpush v63, $0x3;
	[hbm4b:s12+s3] =	stream.linear.scatter [tilespmem:s15], [sflag:$0x2], $0x640, $0x38;
	[tilespmem:$0xCA0] =	vst v63  }
0x1c2: {  	s16 =	rddreg [dreg:$0x12];
	s17 =	spop (v2sf)  }
0x1c3: {  	(v2sf) =	vpush v63, $0x4;
	[hbm4b:s14+s3] =	stream.linear.scatter [tilespmem:s17], [sflag:$0x2], $0x640, $0x38;
	[tilespmem:$0xCA0] =	vst v63  }
0x1c4: {  	s18 =	rddreg [dreg:$0x13];
	s19 =	spop (v2sf)  }
0x1c5: {  	(v2sf) =	vpush v63, $0x5;
	[hbm4b:s16+s3] =	stream.linear.scatter [tilespmem:s19], [sflag:$0x2], $0x640, $0x38;
	[tilespmem:$0xCA0] =	vst v63  }
0x1c6: {  	s20 =	rddreg [dreg:$0x14];
	s21 =	spop (v2sf)  }
0x1c7: {  	(v2sf) =	vpush v63, $0x6;
	[hbm4b:s18+s3] =	stream.linear.scatter [tilespmem:s21], [sflag:$0x2], $0x640, $0x38;
	[tilespmem:$0xCA0] =	vst v63  }
0x1c8: {  	s22 =	rddreg [dreg:$0x15];
	s23 =	spop (v2sf)  }
0x1c9: {  	(v2sf) =	vpush v63, $0x7;
	[hbm4b:s20+s3] =	stream.linear.scatter [tilespmem:s23], [sflag:$0x2], $0x640, $0x38;
	[tilespmem:$0xCA0] =	vst v63  }
0x1ca: {  	s24 =	rddreg [dreg:$0x16];
	s25 =	spop (v2sf)  }
0x1cb: {  	(v2sf) =	vpush v63, $0x8;
	[hbm4b:s22+s3] =	stream.linear.scatter [tilespmem:s25], [sflag:$0x2], $0x640, $0x38;
	[tilespmem:$0xCA0] =	vst v63  }
0x1cc: {  	s26 =	rddreg [dreg:$0x17];
	s28 =	spop (v2sf)  }
0x1cd: {  	(v2sf) =	vpush v63, $0x9;
	[hbm4b:s24+s3] =	stream.linear.scatter [tilespmem:s28], [sflag:$0x2], $0x640, $0x38;
	[tilespmem:$0xCA0] =	vst v63  }
0x1ce: {  	s29 =	rddreg [dreg:$0x18];
	s30 =	spop (v2sf)  }
0x1cf: {  	(v2sf) =	vpush v63, $0xA;
	[hbm4b:s26+s3] =	stream.linear.scatter [tilespmem:s30], [sflag:$0x2], $0x640, $0x38;
	[tilespmem:$0xCA0] =	vst v63  }
0x1d0: {  	s31 =	rddreg [dreg:$0x19];
	s7 =	spop (v2sf)  }
0x1d1: {  	(v2sf) =	vpush v63, $0xB;
	[hbm4b:s29+s3] =	stream.linear.scatter [tilespmem:s7], [sflag:$0x2], $0x640, $0x38;
	[tilespmem:$0xCA0] =	vst v63  }
0x1d2: {  	s8 =	rddreg [dreg:$0x1a];
	s9 =	spop (v2sf)  }
0x1d3: {  	(v2sf) =	vpush v63, $0xC;
	[hbm4b:s31+s3] =	stream.linear.scatter [tilespmem:s9], [sflag:$0x2], $0x640, $0x38;
	[tilespmem:$0xCA0] =	vst v63  }
0x1d4: {  	s10 =	rddreg [dreg:$0x1b];
	s11 =	spop (v2sf)  }
0x1d5: {  	(v2sf) =	vpush v63, $0xD;
	[hbm4b:s8+s3] =	stream.linear.scatter [tilespmem:s11], [sflag:$0x2], $0x640, $0x38;
	[tilespmem:$0xCA0] =	vst v63  }
0x1d6: {  	s12 =	rddreg [dreg:$0x1c];
	s13 =	spop (v2sf)  }
0x1d7: {  	(v2sf) =	vpush v63, $0xE;
	[hbm4b:s10+s3] =	stream.linear.scatter [tilespmem:s13], [sflag:$0x2], $0x640, $0x38;
	[tilespmem:$0xCA0] =	vst v63  }
0x1d8: {  	s14 =	rddreg [dreg:$0x1d];
	s15 =	spop (v2sf)  }
0x1d9: {  	(v2sf) =	vpush v63, $0xF;
	[hbm4b:s12+s3] =	stream.linear.scatter [tilespmem:s15], [sflag:$0x2], $0x640, $0x38;
	[tilespmem:$0xCA0] =	vst v63  }
0x1da: {  	s16 =	rddreg [dreg:$0x1e];
	s17 =	spop (v2sf)  }
0x1db: {  	[hbm4b:s14+s3] =	stream.linear.scatter [tilespmem:s17], [sflag:$0x2], $0x640, $0x38;
	[tilespmem:$0xCA0] =	vst v63  }
0x1dc: {  	s18 =	rddreg [dreg:$0x1f];
	s19 =	spop (v2sf)  }
0x1dd: {  	[hbm4b:s16+s3] =	stream.linear.scatter [tilespmem:s19], [sflag:$0x2], $0x640, $0x38;
	[tilespmem:$0xCA0] =	vst v63  }
0x1de: {  	s20 =	sld [smem:$0x7F8];
	s21 =	spop (v2sf)  }
0x1df: {  	[hbm4b:s18+s3] =	stream.linear.scatter [tilespmem:s21], [sflag:$0x2], $0x640, $0x38;
	[tilespmem:$0xCA0] =	vst v63  }
0x1e0: {  	s22 =	sld [smem:$0x7F9];
	s23 =	spop (v2sf)  }
0x1e1: {  	[hbm4b:s20+s3] =	stream.linear.scatter [tilespmem:s23], [sflag:$0x2], $0x640, $0x38;
	[tilespmem:$0xCA0] =	vst v63  }
0x1e2: {  	s24 =	sld [smem:$0x7FA];
	s25 =	spop (v2sf)  }
0x1e3: {  	[hbm4b:s22+s3] =	stream.linear.scatter [tilespmem:s25], [sflag:$0x2], $0x640, $0x38;
	[tilespmem:$0xCA0] =	vst v63  }
0x1e4: {  	s26 =	sld [smem:$0x7FB];
	s28 =	spop (v2sf)  }
0x1e5: {  	[hbm4b:s24+s3] =	stream.linear.scatter [tilespmem:s28], [sflag:$0x2], $0x640, $0x38;
	[tilespmem:$0xCA0] =	vst v63  }
0x1e6: {  	s29 =	sld [smem:$0x7FC];
	s30 =	spop (v2sf)  }
0x1e7: {  	[hbm4b:s26+s3] =	stream.linear.scatter [tilespmem:s30], [sflag:$0x2], $0x640, $0x38;
	[tilespmem:$0xCA0] =	vst v63  }
0x1e8: {  	s31 =	spop (v2sf)  }
0x1e9: {  	[hbm4b:s29+s3] =	stream.linear.scatter [tilespmem:s31], [sflag:$0x2], $0x640, $0x38;
	[tilespmem:$0xCA0] =	vst v63  }
0x1ea: {  	_ =	swait.ge [sflag:s2], $0x640  }
0x1eb: {  	[sflag:s2] =	ssyncset.done $0x0  }
0x1ec: {  	[sflag:s2] =	ssyncadd.s32 $0xFFFFF9C0  }
0x1ed: {  	_ =	swait.ge [sflag:s2], $0x640  }
0x1ee: {  	[sflag:s2] =	ssyncset.done $0x0  }
0x1ef: {  	[sflag:s2] =	ssyncadd.s32 $0xFFFFF9C0  }
0x1f0: {  	_ =	swait.ge [sflag:s2], $0x640  }
0x1f1: {  	[sflag:s2] =	ssyncset.done $0x0  }
0x1f2: {  	[sflag:s2] =	ssyncadd.s32 $0xFFFFF9C0  }
0x1f3: {  	_ =	swait.ge [sflag:s2], $0x640  }
0x1f4: {  	[sflag:s2] =	ssyncset.done $0x0  }
0x1f5: {  	[sflag:s2] =	ssyncadd.s32 $0xFFFFF9C0  }
0x1f6: {  	_ =	swait.ge [sflag:s2], $0x640  }
0x1f7: {  	[sflag:s2] =	ssyncset.done $0x0  }
0x1f8: {  	[sflag:s2] =	ssyncadd.s32 $0xFFFFF9C0  }
0x1f9: {  	_ =	swait.ge [sflag:s2], $0x640  }
0x1fa: {  	[sflag:s2] =	ssyncset.done $0x0  }
0x1fb: {  	[sflag:s2] =	ssyncadd.s32 $0xFFFFF9C0  }
0x1fc: {  	_ =	swait.ge [sflag:s2], $0x640  }
0x1fd: {  	[sflag:s2] =	ssyncset.done $0x0  }
0x1fe: {  	[sflag:s2] =	ssyncadd.s32 $0xFFFFF9C0  }
0x1ff: {  	_ =	swait.ge [sflag:s2], $0x640  }
0x200: {  	[sflag:s2] =	ssyncset.done $0x0  }
0x201: {  	[sflag:s2] =	ssyncadd.s32 $0xFFFFF9C0  }
0x202: {  	_ =	swait.ge [sflag:s2], $0x640  }
0x203: {  	[sflag:s2] =	ssyncset.done $0x0  }
0x204: {  	[sflag:s2] =	ssyncadd.s32 $0xFFFFF9C0  }
0x205: {  	_ =	swait.ge [sflag:s2], $0x640  }
0x206: {  	[sflag:s2] =	ssyncset.done $0x0  }
0x207: {  	[sflag:s2] =	ssyncadd.s32 $0xFFFFF9C0  }
0x208: {  	_ =	swait.ge [sflag:s2], $0x640  }
0x209: {  	[sflag:s2] =	ssyncset.done $0x0  }
0x20a: {  	[sflag:s2] =	ssyncadd.s32 $0xFFFFF9C0  }
0x20b: {  	_ =	swait.ge [sflag:s2], $0x640  }
0x20c: {  	[sflag:s2] =	ssyncset.done $0x0  }
0x20d: {  	[sflag:s2] =	ssyncadd.s32 $0xFFFFF9C0  }
0x20e: {  	_ =	swait.ge [sflag:s2], $0x640  }
0x20f: {  	[sflag:s2] =	ssyncset.done $0x0  }
0x210: {  	[sflag:s2] =	ssyncadd.s32 $0xFFFFF9C0  }
0x211: {  	_ =	swait.ge [sflag:s2], $0x640  }
0x212: {  	[sflag:s2] =	ssyncset.done $0x0  }
0x213: {  	[sflag:s2] =	ssyncadd.s32 $0xFFFFF9C0  }
0x214: {  	_ =	swait.ge [sflag:s2], $0x640  }
0x215: {  	[sflag:s2] =	ssyncset.done $0x0  }
0x216: {  	[sflag:s2] =	ssyncadd.s32 $0xFFFFF9C0  }
0x217: {  	_ =	swait.ge [sflag:s2], $0x640  }
0x218: {  	[sflag:s2] =	ssyncset.done $0x0  }
0x219: {  	[sflag:s2] =	ssyncadd.s32 $0xFFFFF9C0  }
0x21a: {  	_ =	swait.ge [sflag:s2], $0x640  }
0x21b: {  	[sflag:s2] =	ssyncset.done $0x0  }
0x21c: {  	[sflag:s2] =	ssyncadd.s32 $0xFFFFF9C0  }
0x21d: {  	_ =	swait.ge [sflag:s2], $0x640  }
0x21e: {  	[sflag:s2] =	ssyncset.done $0x0  }
0x21f: {  	[sflag:s2] =	ssyncadd.s32 $0xFFFFF9C0  }
0x220: {  	_ =	swait.ge [sflag:s2], $0x640  }
0x221: {  	[sflag:s2] =	ssyncset.done $0x0  }
0x222: {  	[sflag:s2] =	ssyncadd.s32 $0xFFFFF9C0  }
0x223: {  	_ =	swait.ge [sflag:s2], $0x640  }
0x224: {  	[sflag:s2] =	ssyncset.done $0x0  }
0x225: {  	[sflag:s2] =	ssyncadd.s32 $0xFFFFF9C0  }
0x226: {  	_ =	swait.ge [sflag:s2], $0x640  }
0x227: {  	[sflag:s2] =	ssyncset.done $0x0  }
0x228: {  	[sflag:s2] =	ssyncadd.s32 $0xFFFFF9C0  }
0x229: {  	_ =	swait.ge [sflag:s2], $0x640  }
0x22a: {  	[sflag:s2] =	ssyncset.done $0x0  }
0x22b: {  	[sflag:s2] =	ssyncadd.s32 $0xFFFFF9C0  }
0x22c: {  	_ =	swait.ge [sflag:s2], $0x640  }
0x22d: {  	[sflag:s2] =	ssyncset.done $0x0  }
0x22e: {  	[sflag:s2] =	ssyncadd.s32 $0xFFFFF9C0  }
0x22f: {  	_ =	swait.ge [sflag:s2], $0x640  }
0x230: {  	[sflag:s2] =	ssyncset.done $0x0  }
0x231: {  	[sflag:s2] =	ssyncadd.s32 $0xFFFFF9C0  }
0x232: {  	_ =	swait.ge [sflag:s2], $0x640  }
0x233: {  	[sflag:s2] =	ssyncset.done $0x0  }
0x234: {  	[sflag:s2] =	ssyncadd.s32 $0xFFFFF9C0  }
0x235: {  	_ =	swait.ge [sflag:s2], $0x640  }
0x236: {  	[sflag:s2] =	ssyncset.done $0x0  }
0x237: {  	[sflag:s2] =	ssyncadd.s32 $0xFFFFF9C0  }
0x238: {  	_ =	swait.ge [sflag:s2], $0x640  }
0x239: {  	[sflag:s2] =	ssyncset.done $0x0  }
0x23a: {  	[sflag:s2] =	ssyncadd.s32 $0xFFFFF9C0  }
0x23b: {  	_ =	swait.ge [sflag:s2], $0x640  }
0x23c: {  	[sflag:s2] =	ssyncset.done $0x0  }
0x23d: {  	[sflag:s2] =	ssyncadd.s32 $0xFFFFF9C0  }
0x23e: {  	_ =	swait.ge [sflag:s2], $0x640  }
0x23f: {  	[sflag:s2] =	ssyncset.done $0x0  }
0x240: {  	[sflag:s2] =	ssyncadd.s32 $0xFFFFF9C0  }
0x241: {  	_ =	swait.ge [sflag:s2], $0x640  }
0x242: {  	[sflag:s2] =	ssyncset.done $0x0  }
0x243: {  	[sflag:s2] =	ssyncadd.s32 $0xFFFFF9C0  }
0x244: {  	_ =	swait.ge [sflag:s2], $0x640  }
0x245: {  	[sflag:s2] =	ssyncset.done $0x0  }
0x246: {  	[sflag:s2] =	ssyncadd.s32 $0xFFFFF9C0  }
0x247: {  	_ =	swait.ge [sflag:s2], $0x640  }
0x248: {  	[sflag:s2] =	ssyncset.done $0x0  }
0x249: {  	[sflag:s2] =	ssyncadd.s32 $0xFFFFF9C0  }
0x24a: {  	_ =	sfence.sel $0x180000  }
0x24b: {  	[bflag:$0x0] =	sbarrier.arrive $0xFFFF  }
0x24c: {  	p0 =	sne.s32 s1, $0x0;
	_ =	strace $0x90000047  }
0x24d: {  	s0 =	sadd.s32 @!p0 $0x100000, s0;
	[bflag:$0x2] =	sbarrier.arrive $0xFFFF  }
0x24e: {  	[sflag:s0] =	ssyncadd.tile.s32 @!p0 $0x1;
	_ =	shalt  }
.Lfunc_end2:
_tile_overlayer_lowered:
.L_overlay_start_2:
0x24f: {  	(tag) =	ssettag $0x2  }
0x250: {  	s0 =	rddreg [dreg:$0x0];
	s2 =	stileid.u32  }
0x251: {  	s1 =	rddreg [dreg:$0x1];
	p0 =	sne.s32 s2, $0x0  }
0x252: {  	s3 =	rddreg [dreg:$0x2];
	[bflag:$0x3] =	sbarrier.arrive $0xFFFF;
	s2 =	simm.s32 @!p0 $0x1C03  }
0x253: {  	[timem:s3], [sflag:s2] =	dma.local @!p0 [hbm:s0], s1  }
0x254: {  	s0 =	simm.s32 @!p0 $0x3  }
0x255: {  	_ =	swait.ge @!p0 [sflag:s0], s1  }
0x256: {  	s1 =	ssub.s32 @!p0 $0x0, s1;
	[sflag:s0] =	ssyncset.done @!p0 $0x0  }
0x257: {  	[sflag:s0] =	ssyncadd.s32 @!p0 s1  }
0x258: {  	[bflag:$0x3] =	sbarrier.arrive $0xFFFF  }
0x259: {  	_ =	shalt  }

</sc_bundles>
